<compile_context>
chip_gen: v7x
topology: tpu7x:2x2x1
jax: 0.10.2.dev20260603
libtpu: 0.0.44.dev20260713+nightly
codegen_flags: <defaults>
</compile_context>

<pallas_src>
import jax
import jax.numpy as jnp
from jax import lax
from jax.experimental import pallas as pl
from jax.experimental.pallas import tpu as pltpu
from jax.experimental.pallas import tpu_sc as plsc

_MAGIC = 8388608.0

_D = 768
_ROWS = 32 * 1024
_NC, _NS, _L = 2, 16, 16
_NW = _NC * _NS
_ROWS_W = _ROWS // _NW
_R = 16
_NB = 4
_N_CHUNKS = _ROWS_W // _R
_N_GROUPS = _N_CHUNKS // _NB


def _round16(v):
    vi = v.view(jnp.uint32)
    s = vi & jnp.uint32(0x80000000)
    a = (vi & jnp.uint32(0x7FFFFFFF)).view(jnp.float32)
    r = (a + _MAGIC) - _MAGIC
    r = jnp.where(a < _MAGIC, r, a)
    return (r.view(jnp.uint32) | s).view(jnp.float32)


def _sc_body(x_hbm, o_hbm,
             i0, i1, i2, i3, o0, o1, o2, o3,
             si0, si1, si2, si3, so0, so1, so2, so3):
    inbs, outbs = (i0, i1, i2, i3), (o0, o1, o2, o3)
    sis, sos = (si0, si1, si2, si3), (so0, so1, so2, so3)
    wid = lax.axis_index("s") * _NC + lax.axis_index("c")
    base = wid * _ROWS_W

    for b in range(_NB):
        pltpu.make_async_copy(
            x_hbm.at[pl.ds(base + b * _R, _R), :], inbs[b], sis[b]
        ).start()

    def group(g, _):
        for b in range(_NB):
            row0 = base + (g * _NB + b) * _R
            pltpu.make_async_copy(
                x_hbm.at[pl.ds(row0, _R), :], inbs[b], sis[b]
            ).wait()

            @pl.when(g > 0)
            def _():
                pltpu.make_async_copy(
                    outbs[b], o_hbm.at[pl.ds(row0 - _NB * _R, _R), :], sos[b]
                ).wait()

            inr, outr = inbs[b], outbs[b]

            @plsc.parallel_loop(0, _R * (_D // _L), step=1, unroll=8)
            def _(k):
                r = k & (_R - 1)
                c = (k >> 4) * _L
                outr[r, pl.ds(c, _L)] = _round16(inr[r, pl.ds(c, _L)])

            pltpu.make_async_copy(
                outr, o_hbm.at[pl.ds(row0, _R), :], sos[b]
            ).start()

            @pl.when(g + 1 < _N_GROUPS)
            def _():
                pltpu.make_async_copy(
                    x_hbm.at[pl.ds(row0 + _NB * _R, _R), :], inbs[b], sis[b]
                ).start()

        return 0

    lax.fori_loop(0, _N_GROUPS, group, 0)

    for b in range(_NB):
        row_last = base + (_N_CHUNKS - _NB + b) * _R
        pltpu.make_async_copy(
            outbs[b], o_hbm.at[pl.ds(row_last, _R), :], sos[b]
        ).wait()


@jax.jit
def _sc_round(x2d):
    mesh = plsc.VectorSubcoreMesh(core_axis_name="c", subcore_axis_name="s")
    vm = pltpu.VMEM((_R, _D), jnp.float32)
    f = pl.kernel(
        _sc_body,
        out_type=jax.ShapeDtypeStruct((_ROWS, _D), jnp.float32),
        mesh=mesh,
        compiler_params=pltpu.CompilerParams(
            use_tc_tiling_on_sc=True, skip_device_barrier=True
        ),
        scratch_types=[vm] * 8 + [pltpu.SemaphoreType.DMA] * 8,
    )
    return f(x2d)


def kernel(x):
    B, S, D = x.shape
    return _sc_round(x.reshape(B * S, D)).reshape(B, S, D)

# --- scband reference (transcript-rebuilt; emitter-appended) ---
"""Pipeline reference for scband-quantizer-51694226375233 (READ-ONLY COPY).

The authoritative reference and input builder live on the scoring server;
editing this copy changes nothing except your own understanding.
"""

import jax, jax.numpy as jnp
import numpy as np


def setup_inputs(seed: int = 0) -> dict:
    key = jax.random.key(seed)
    x = jax.random.normal(key, (32, 1024, 768), dtype=jnp.float32) * 4.0
    return {"x": x}


def reference(x):
    # QuantizerFunc: round-to-nearest quantization with straight-through estimator.
    # Forward: round(x); Backward: identity (implemented via stop_gradient trick).
    q = x + jax.lax.stop_gradient(jnp.round(x) - x)
    return q

if __name__ == "__main__":
    import jax
    _d = setup_inputs()
    print(jax.jit(kernel)(*tuple(_d.values())))

</pallas_src>

<mosaic_0001>
#map = affine_map<(d0, d1) -> (0, 0)>
module attributes {stable_mosaic.version = 14 : i64} {
  func.func @_sc_body(%arg0: i32, %arg1: i32, %arg2: memref<32768x768xf32, #tpu.memory_space<hbm>>, %arg3: memref<32768x768xf32, #tpu.memory_space<hbm>>, %arg4: memref<16x768xf32, #tpu.memory_space<vmem>>, %arg5: memref<16x768xf32, #tpu.memory_space<vmem>>, %arg6: memref<16x768xf32, #tpu.memory_space<vmem>>, %arg7: memref<16x768xf32, #tpu.memory_space<vmem>>, %arg8: memref<16x768xf32, #tpu.memory_space<vmem>>, %arg9: memref<16x768xf32, #tpu.memory_space<vmem>>, %arg10: memref<16x768xf32, #tpu.memory_space<vmem>>, %arg11: memref<16x768xf32, #tpu.memory_space<vmem>>, %arg12: memref<!tpu.dma_semaphore, #tpu.memory_space<semaphore_mem>>, %arg13: memref<!tpu.dma_semaphore, #tpu.memory_space<semaphore_mem>>, %arg14: memref<!tpu.dma_semaphore, #tpu.memory_space<semaphore_mem>>, %arg15: memref<!tpu.dma_semaphore, #tpu.memory_space<semaphore_mem>>, %arg16: memref<!tpu.dma_semaphore, #tpu.memory_space<semaphore_mem>>, %arg17: memref<!tpu.dma_semaphore, #tpu.memory_space<semaphore_mem>>, %arg18: memref<!tpu.dma_semaphore, #tpu.memory_space<semaphore_mem>>, %arg19: memref<!tpu.dma_semaphore, #tpu.memory_space<semaphore_mem>>) attributes {dimension_semantics = [#tpu.dimension_semantics<core_parallel>, #tpu.dimension_semantics<subcore_parallel>], iteration_bounds = array<i64: 2, 16>, scalar_prefetch = 0 : i64, scratch_operands = 16 : i64, tpu.core_type = #tpu.core_type<sc_vector_subcore>, window_params = [{transform_indices = #map}, {transform_indices = #map}]} {
    %mul3A = arith.constant 2 : i32
    %mul3A_0 = arith.muli %arg1, %mul3A : i32
    %add3A = arith.addi %mul3A_0, %arg0 : i32
    %mul3A_1 = arith.constant 1024 : i32
    %mul3A_2 = arith.muli %add3A, %mul3A_1 : i32
    %add3A_3 = arith.constant 0 : i32
    %add3A_4 = arith.addi %mul3A_2, %add3A_3 : i32
    %dma_start3A = arith.constant 0 : i32
    %dma_start3A_5 = tpu.memref_slice %arg2[%add3A_4, %dma_start3A] : memref<32768x768xf32, #tpu.memory_space<hbm>> -> memref<16x768xf32, #tpu.memory_space<hbm>>
    %dma_start3A_6 = arith.constant 0 : i32
    %dma_start3A_7 = tpu.memref_slice %arg2[%add3A_4, %dma_start3A_6] : memref<32768x768xf32, #tpu.memory_space<hbm>> -> memref<16x768xf32, #tpu.memory_space<hbm>>
    tpu.enqueue_dma source(%dma_start3A_7 : memref<16x768xf32, #tpu.memory_space<hbm>>) target(%arg4 : memref<16x768xf32, #tpu.memory_space<vmem>>) target_semaphore(%arg12 : memref<!tpu.dma_semaphore, #tpu.memory_space<semaphore_mem>>)
    %add3A_8 = arith.constant 16 : i32
    %add3A_9 = arith.addi %mul3A_2, %add3A_8 : i32
    %dma_start3A_10 = arith.constant 0 : i32
    %dma_start3A_11 = tpu.memref_slice %arg2[%add3A_9, %dma_start3A_10] : memref<32768x768xf32, #tpu.memory_space<hbm>> -> memref<16x768xf32, #tpu.memory_space<hbm>>
    %dma_start3A_12 = arith.constant 0 : i32
    %dma_start3A_13 = tpu.memref_slice %arg2[%add3A_9, %dma_start3A_12] : memref<32768x768xf32, #tpu.memory_space<hbm>> -> memref<16x768xf32, #tpu.memory_space<hbm>>
    tpu.enqueue_dma source(%dma_start3A_13 : memref<16x768xf32, #tpu.memory_space<hbm>>) target(%arg5 : memref<16x768xf32, #tpu.memory_space<vmem>>) target_semaphore(%arg13 : memref<!tpu.dma_semaphore, #tpu.memory_space<semaphore_mem>>)
    %add3A_14 = arith.constant 32 : i32
    %add3A_15 = arith.addi %mul3A_2, %add3A_14 : i32
    %dma_start3A_16 = arith.constant 0 : i32
    %dma_start3A_17 = tpu.memref_slice %arg2[%add3A_15, %dma_start3A_16] : memref<32768x768xf32, #tpu.memory_space<hbm>> -> memref<16x768xf32, #tpu.memory_space<hbm>>
    %dma_start3A_18 = arith.constant 0 : i32
    %dma_start3A_19 = tpu.memref_slice %arg2[%add3A_15, %dma_start3A_18] : memref<32768x768xf32, #tpu.memory_space<hbm>> -> memref<16x768xf32, #tpu.memory_space<hbm>>
    tpu.enqueue_dma source(%dma_start3A_19 : memref<16x768xf32, #tpu.memory_space<hbm>>) target(%arg6 : memref<16x768xf32, #tpu.memory_space<vmem>>) target_semaphore(%arg14 : memref<!tpu.dma_semaphore, #tpu.memory_space<semaphore_mem>>)
    %add3A_20 = arith.constant 48 : i32
    %add3A_21 = arith.addi %mul3A_2, %add3A_20 : i32
    %dma_start3A_22 = arith.constant 0 : i32
    %dma_start3A_23 = tpu.memref_slice %arg2[%add3A_21, %dma_start3A_22] : memref<32768x768xf32, #tpu.memory_space<hbm>> -> memref<16x768xf32, #tpu.memory_space<hbm>>
    %dma_start3A_24 = arith.constant 0 : i32
    %dma_start3A_25 = tpu.memref_slice %arg2[%add3A_21, %dma_start3A_24] : memref<32768x768xf32, #tpu.memory_space<hbm>> -> memref<16x768xf32, #tpu.memory_space<hbm>>
    tpu.enqueue_dma source(%dma_start3A_25 : memref<16x768xf32, #tpu.memory_space<hbm>>) target(%arg7 : memref<16x768xf32, #tpu.memory_space<vmem>>) target_semaphore(%arg15 : memref<!tpu.dma_semaphore, #tpu.memory_space<semaphore_mem>>)
    %scan3A = arith.constant 0 : i32
    %scan3A_26 = arith.constant 0 : i32
    %scan3A_27 = arith.constant 16 : i32
    %scan3A_28 = arith.addi %scan3A_26, %scan3A_27 : i32
    %scan3A_29 = arith.constant 1 : i32
    %scan3A_30 = scf.for %scan3A_55 = %scan3A_26 to %scan3A_28 step %scan3A_29 iter_args(%scan3A_56 = %scan3A) -> (i32)  : i32 {
      %mul3A_57 = arith.constant 4 : i32
      %mul3A_58 = arith.muli %scan3A_55, %mul3A_57 : i32
      %add3A_59 = arith.constant 0 : i32
      %add3A_60 = arith.addi %mul3A_58, %add3A_59 : i32
      %mul3A_61 = arith.constant 16 : i32
      %mul3A_62 = arith.muli %add3A_60, %mul3A_61 : i32
      %add3A_63 = arith.addi %mul3A_2, %mul3A_62 : i32
      %dma_wait3A_64 = arith.constant 0 : i32
      %dma_wait3A_65 = tpu.memref_slice %arg2[%add3A_63, %dma_wait3A_64] : memref<32768x768xf32, #tpu.memory_space<hbm>> -> memref<16x768xf32, #tpu.memory_space<hbm>>
      %dma_wait3A_66 = arith.constant 0 : i32
      %dma_wait3A_67 = tpu.memref_slice %arg2[%add3A_63, %dma_wait3A_66] : memref<32768x768xf32, #tpu.memory_space<hbm>> -> memref<16x768xf32, #tpu.memory_space<hbm>>
      tpu.wait_dma2 semaphore(%arg12 : memref<!tpu.dma_semaphore, #tpu.memory_space<semaphore_mem>>) src(%dma_wait3A_67 : memref<16x768xf32, #tpu.memory_space<hbm>>) dst(%arg4 : memref<16x768xf32, #tpu.memory_space<vmem>>)
      %gt3A = arith.constant 0 : i32
      %gt3A_68 = arith.cmpi sgt, %scan3A_55, %gt3A : i32
      %convert_element_type3A = arith.extui %gt3A_68 : i1 to i32
      %cond3A = arith.constant 0 : i32
      %cond3A_69 = arith.cmpi ne, %convert_element_type3A, %cond3A : i32
      scf.if %cond3A_69 {
        %sub3A = arith.constant 64 : i32
        %sub3A_173 = arith.subi %add3A_63, %sub3A : i32
        %dma_wait3A_174 = arith.constant 0 : i32
        %dma_wait3A_175 = tpu.memref_slice %arg3[%sub3A_173, %dma_wait3A_174] : memref<32768x768xf32, #tpu.memory_space<hbm>> -> memref<16x768xf32, #tpu.memory_space<hbm>>
        %dma_wait3A_176 = arith.constant 0 : i32
        %dma_wait3A_177 = tpu.memref_slice %arg3[%sub3A_173, %dma_wait3A_176] : memref<32768x768xf32, #tpu.memory_space<hbm>> -> memref<16x768xf32, #tpu.memory_space<hbm>>
        tpu.wait_dma2 semaphore(%arg16 : memref<!tpu.dma_semaphore, #tpu.memory_space<semaphore_mem>>) src(%arg8 : memref<16x768xf32, #tpu.memory_space<vmem>>) dst(%dma_wait3A_177 : memref<16x768xf32, #tpu.memory_space<hbm>>)
      } else {
      }
      %parallel_loop3A = arith.constant 0 : i32
      %parallel_loop3A_70 = arith.constant 768 : i32
      %parallel_loop3A_71 = arith.constant 1 : i32
      scf.for %parallel_loop3A_173 = %parallel_loop3A to %parallel_loop3A_70 step %parallel_loop3A_71  : i32 {
        %parallel_loop3A_174 = arith.constant 15 : i32
        %parallel_loop3A_175 = arith.andi %parallel_loop3A_173, %parallel_loop3A_174 : i32
        %parallel_loop3A_176 = arith.constant 4 : i32
        %parallel_loop3A_177 = arith.shrsi %parallel_loop3A_173, %parallel_loop3A_176 : i32
        %parallel_loop3A_178 = arith.constant 16 : i32
        %parallel_loop3A_179 = arith.muli %parallel_loop3A_177, %parallel_loop3A_178 : i32
        %parallel_loop3A_180 = arith.index_cast %parallel_loop3A_175 : i32 to index
        %parallel_loop3A_181 = arith.index_cast %parallel_loop3A_179 : i32 to index
        %parallel_loop3A_182 = tpu.vector_load %arg4[%parallel_loop3A_180, %parallel_loop3A_181] {strides = array<i32>} : memref<16x768xf32, #tpu.memory_space<vmem>>, vector<1x16xf32>,
        %parallel_loop3A_183 = vector.shape_cast %parallel_loop3A_182 : vector<1x16xf32> to vector<16xf32>
        %parallel_loop3A_184 = tpu.bitcast %parallel_loop3A_183 : vector<16xf32> -> vector<16xi32>
        %parallel_loop3A_185 = arith.constant -2147483648 : i32
        %parallel_loop3A_186 = vector.broadcast %parallel_loop3A_185 : i32 to vector<16xi32>
        %parallel_loop3A_187 = arith.andi %parallel_loop3A_184, %parallel_loop3A_186 : vector<16xi32>
        %parallel_loop3A_188 = arith.constant 2147483647 : i32
        %parallel_loop3A_189 = vector.broadcast %parallel_loop3A_188 : i32 to vector<16xi32>
        %parallel_loop3A_190 = arith.andi %parallel_loop3A_184, %parallel_loop3A_189 : vector<16xi32>
        %parallel_loop3A_191 = tpu.bitcast %parallel_loop3A_190 : vector<16xi32> -> vector<16xf32>
        %parallel_loop3A_192 = arith.constant 0x4B000000 : f32
        %parallel_loop3A_193 = vector.broadcast %parallel_loop3A_192 : f32 to vector<16xf32>
        %parallel_loop3A_194 = arith.addf %parallel_loop3A_191, %parallel_loop3A_193 : vector<16xf32>
        %parallel_loop3A_195 = arith.constant 0x4B000000 : f32
        %parallel_loop3A_196 = vector.broadcast %parallel_loop3A_195 : f32 to vector<16xf32>
        %parallel_loop3A_197 = arith.subf %parallel_loop3A_194, %parallel_loop3A_196 : vector<16xf32>
        %parallel_loop3A_198 = arith.constant 0x4B000000 : f32
        %parallel_loop3A_199 = vector.broadcast %parallel_loop3A_198 : f32 to vector<16xf32>
        %parallel_loop3A_200 = arith.cmpf olt, %parallel_loop3A_191, %parallel_loop3A_199 : vector<16xf32>
        %parallel_loop3A_201 = arith.select %parallel_loop3A_200, %parallel_loop3A_197, %parallel_loop3A_191 : vector<16xi1>, vector<16xf32>
        %parallel_loop3A_202 = tpu.bitcast %parallel_loop3A_201 : vector<16xf32> -> vector<16xi32>
        %parallel_loop3A_203 = arith.ori %parallel_loop3A_202, %parallel_loop3A_187 : vector<16xi32>
        %parallel_loop3A_204 = tpu.bitcast %parallel_loop3A_203 : vector<16xi32> -> vector<16xf32>
        %parallel_loop3A_205 = arith.index_cast %parallel_loop3A_175 : i32 to index
        %parallel_loop3A_206 = arith.index_cast %parallel_loop3A_179 : i32 to index
        %parallel_loop3A_207 = tpu.vector_load %arg8[%parallel_loop3A_205, %parallel_loop3A_206] {strides = array<i32>} : memref<16x768xf32, #tpu.memory_space<vmem>>, vector<1x16xf32>,
        %parallel_loop3A_208 = vector.shape_cast %parallel_loop3A_207 : vector<1x16xf32> to vector<16xf32>
        %parallel_loop3A_209 = vector.shape_cast %parallel_loop3A_204 : vector<16xf32> to vector<1x16xf32>
        tpu.vector_store %arg8[%parallel_loop3A_205, %parallel_loop3A_206], %parallel_loop3A_209 {strides = array<i32>} : memref<16x768xf32, #tpu.memory_space<vmem>>, vector<1x16xf32>,
      } {sc.loop_unroll_factor = 8 : i64, sc.parallel_access}
      %dma_start3A_72 = arith.constant 0 : i32
      %dma_start3A_73 = tpu.memref_slice %arg3[%add3A_63, %dma_start3A_72] : memref<32768x768xf32, #tpu.memory_space<hbm>> -> memref<16x768xf32, #tpu.memory_space<hbm>>
      %dma_start3A_74 = arith.constant 0 : i32
      %dma_start3A_75 = tpu.memref_slice %arg3[%add3A_63, %dma_start3A_74] : memref<32768x768xf32, #tpu.memory_space<hbm>> -> memref<16x768xf32, #tpu.memory_space<hbm>>
      tpu.enqueue_dma source(%arg8 : memref<16x768xf32, #tpu.memory_space<vmem>>) target(%dma_start3A_75 : memref<16x768xf32, #tpu.memory_space<hbm>>) target_semaphore(%arg16 : memref<!tpu.dma_semaphore, #tpu.memory_space<semaphore_mem>>)
      %add3A_76 = arith.constant 1 : i32
      %add3A_77 = arith.addi %scan3A_55, %add3A_76 : i32
      %lt3A = arith.constant 16 : i32
      %lt3A_78 = arith.cmpi slt, %add3A_77, %lt3A : i32
      %convert_element_type3A_79 = arith.extui %lt3A_78 : i1 to i32
      %cond3A_80 = arith.constant 0 : i32
      %cond3A_81 = arith.cmpi ne, %convert_element_type3A_79, %cond3A_80 : i32
      scf.if %cond3A_81 {
        %add3A_173 = arith.constant 64 : i32
        %add3A_174 = arith.addi %add3A_63, %add3A_173 : i32
        %dma_start3A_175 = arith.constant 0 : i32
        %dma_start3A_176 = tpu.memref_slice %arg2[%add3A_174, %dma_start3A_175] : memref<32768x768xf32, #tpu.memory_space<hbm>> -> memref<16x768xf32, #tpu.memory_space<hbm>>
        %dma_start3A_177 = arith.constant 0 : i32
        %dma_start3A_178 = tpu.memref_slice %arg2[%add3A_174, %dma_start3A_177] : memref<32768x768xf32, #tpu.memory_space<hbm>> -> memref<16x768xf32, #tpu.memory_space<hbm>>
        tpu.enqueue_dma source(%dma_start3A_178 : memref<16x768xf32, #tpu.memory_space<hbm>>) target(%arg4 : memref<16x768xf32, #tpu.memory_space<vmem>>) target_semaphore(%arg12 : memref<!tpu.dma_semaphore, #tpu.memory_space<semaphore_mem>>)
      } else {
      }
      %mul3A_82 = arith.constant 4 : i32
      %mul3A_83 = arith.muli %scan3A_55, %mul3A_82 : i32
      %add3A_84 = arith.constant 1 : i32
      %add3A_85 = arith.addi %mul3A_83, %add3A_84 : i32
      %mul3A_86 = arith.constant 16 : i32
      %mul3A_87 = arith.muli %add3A_85, %mul3A_86 : i32
      %add3A_88 = arith.addi %mul3A_2, %mul3A_87 : i32
      %dma_wait3A_89 = arith.constant 0 : i32
      %dma_wait3A_90 = tpu.memref_slice %arg2[%add3A_88, %dma_wait3A_89] : memref<32768x768xf32, #tpu.memory_space<hbm>> -> memref<16x768xf32, #tpu.memory_space<hbm>>
      %dma_wait3A_91 = arith.constant 0 : i32
      %dma_wait3A_92 = tpu.memref_slice %arg2[%add3A_88, %dma_wait3A_91] : memref<32768x768xf32, #tpu.memory_space<hbm>> -> memref<16x768xf32, #tpu.memory_space<hbm>>
      tpu.wait_dma2 semaphore(%arg13 : memref<!tpu.dma_semaphore, #tpu.memory_space<semaphore_mem>>) src(%dma_wait3A_92 : memref<16x768xf32, #tpu.memory_space<hbm>>) dst(%arg5 : memref<16x768xf32, #tpu.memory_space<vmem>>)
      %gt3A_93 = arith.constant 0 : i32
      %gt3A_94 = arith.cmpi sgt, %scan3A_55, %gt3A_93 : i32
      %convert_element_type3A_95 = arith.extui %gt3A_94 : i1 to i32
      %cond3A_96 = arith.constant 0 : i32
      %cond3A_97 = arith.cmpi ne, %convert_element_type3A_95, %cond3A_96 : i32
      scf.if %cond3A_97 {
        %sub3A = arith.constant 64 : i32
        %sub3A_173 = arith.subi %add3A_88, %sub3A : i32
        %dma_wait3A_174 = arith.constant 0 : i32
        %dma_wait3A_175 = tpu.memref_slice %arg3[%sub3A_173, %dma_wait3A_174] : memref<32768x768xf32, #tpu.memory_space<hbm>> -> memref<16x768xf32, #tpu.memory_space<hbm>>
        %dma_wait3A_176 = arith.constant 0 : i32
        %dma_wait3A_177 = tpu.memref_slice %arg3[%sub3A_173, %dma_wait3A_176] : memref<32768x768xf32, #tpu.memory_space<hbm>> -> memref<16x768xf32, #tpu.memory_space<hbm>>
        tpu.wait_dma2 semaphore(%arg17 : memref<!tpu.dma_semaphore, #tpu.memory_space<semaphore_mem>>) src(%arg9 : memref<16x768xf32, #tpu.memory_space<vmem>>) dst(%dma_wait3A_177 : memref<16x768xf32, #tpu.memory_space<hbm>>)
      } else {
      }
      %parallel_loop3A_98 = arith.constant 0 : i32
      %parallel_loop3A_99 = arith.constant 768 : i32
      %parallel_loop3A_100 = arith.constant 1 : i32
      scf.for %parallel_loop3A_173 = %parallel_loop3A_98 to %parallel_loop3A_99 step %parallel_loop3A_100  : i32 {
        %parallel_loop3A_174 = arith.constant 15 : i32
        %parallel_loop3A_175 = arith.andi %parallel_loop3A_173, %parallel_loop3A_174 : i32
        %parallel_loop3A_176 = arith.constant 4 : i32
        %parallel_loop3A_177 = arith.shrsi %parallel_loop3A_173, %parallel_loop3A_176 : i32
        %parallel_loop3A_178 = arith.constant 16 : i32
        %parallel_loop3A_179 = arith.muli %parallel_loop3A_177, %parallel_loop3A_178 : i32
        %parallel_loop3A_180 = arith.index_cast %parallel_loop3A_175 : i32 to index
        %parallel_loop3A_181 = arith.index_cast %parallel_loop3A_179 : i32 to index
        %parallel_loop3A_182 = tpu.vector_load %arg5[%parallel_loop3A_180, %parallel_loop3A_181] {strides = array<i32>} : memref<16x768xf32, #tpu.memory_space<vmem>>, vector<1x16xf32>,
        %parallel_loop3A_183 = vector.shape_cast %parallel_loop3A_182 : vector<1x16xf32> to vector<16xf32>
        %parallel_loop3A_184 = tpu.bitcast %parallel_loop3A_183 : vector<16xf32> -> vector<16xi32>
        %parallel_loop3A_185 = arith.constant -2147483648 : i32
        %parallel_loop3A_186 = vector.broadcast %parallel_loop3A_185 : i32 to vector<16xi32>
        %parallel_loop3A_187 = arith.andi %parallel_loop3A_184, %parallel_loop3A_186 : vector<16xi32>
        %parallel_loop3A_188 = arith.constant 2147483647 : i32
        %parallel_loop3A_189 = vector.broadcast %parallel_loop3A_188 : i32 to vector<16xi32>
        %parallel_loop3A_190 = arith.andi %parallel_loop3A_184, %parallel_loop3A_189 : vector<16xi32>
        %parallel_loop3A_191 = tpu.bitcast %parallel_loop3A_190 : vector<16xi32> -> vector<16xf32>
        %parallel_loop3A_192 = arith.constant 0x4B000000 : f32
        %parallel_loop3A_193 = vector.broadcast %parallel_loop3A_192 : f32 to vector<16xf32>
        %parallel_loop3A_194 = arith.addf %parallel_loop3A_191, %parallel_loop3A_193 : vector<16xf32>
        %parallel_loop3A_195 = arith.constant 0x4B000000 : f32
        %parallel_loop3A_196 = vector.broadcast %parallel_loop3A_195 : f32 to vector<16xf32>
        %parallel_loop3A_197 = arith.subf %parallel_loop3A_194, %parallel_loop3A_196 : vector<16xf32>
        %parallel_loop3A_198 = arith.constant 0x4B000000 : f32
        %parallel_loop3A_199 = vector.broadcast %parallel_loop3A_198 : f32 to vector<16xf32>
        %parallel_loop3A_200 = arith.cmpf olt, %parallel_loop3A_191, %parallel_loop3A_199 : vector<16xf32>
        %parallel_loop3A_201 = arith.select %parallel_loop3A_200, %parallel_loop3A_197, %parallel_loop3A_191 : vector<16xi1>, vector<16xf32>
        %parallel_loop3A_202 = tpu.bitcast %parallel_loop3A_201 : vector<16xf32> -> vector<16xi32>
        %parallel_loop3A_203 = arith.ori %parallel_loop3A_202, %parallel_loop3A_187 : vector<16xi32>
        %parallel_loop3A_204 = tpu.bitcast %parallel_loop3A_203 : vector<16xi32> -> vector<16xf32>
        %parallel_loop3A_205 = arith.index_cast %parallel_loop3A_175 : i32 to index
        %parallel_loop3A_206 = arith.index_cast %parallel_loop3A_179 : i32 to index
        %parallel_loop3A_207 = tpu.vector_load %arg9[%parallel_loop3A_205, %parallel_loop3A_206] {strides = array<i32>} : memref<16x768xf32, #tpu.memory_space<vmem>>, vector<1x16xf32>,
        %parallel_loop3A_208 = vector.shape_cast %parallel_loop3A_207 : vector<1x16xf32> to vector<16xf32>
        %parallel_loop3A_209 = vector.shape_cast %parallel_loop3A_204 : vector<16xf32> to vector<1x16xf32>
        tpu.vector_store %arg9[%parallel_loop3A_205, %parallel_loop3A_206], %parallel_loop3A_209 {strides = array<i32>} : memref<16x768xf32, #tpu.memory_space<vmem>>, vector<1x16xf32>,
      } {sc.loop_unroll_factor = 8 : i64, sc.parallel_access}
      %dma_start3A_101 = arith.constant 0 : i32
      %dma_start3A_102 = tpu.memref_slice %arg3[%add3A_88, %dma_start3A_101] : memref<32768x768xf32, #tpu.memory_space<hbm>> -> memref<16x768xf32, #tpu.memory_space<hbm>>
      %dma_start3A_103 = arith.constant 0 : i32
      %dma_start3A_104 = tpu.memref_slice %arg3[%add3A_88, %dma_start3A_103] : memref<32768x768xf32, #tpu.memory_space<hbm>> -> memref<16x768xf32, #tpu.memory_space<hbm>>
      tpu.enqueue_dma source(%arg9 : memref<16x768xf32, #tpu.memory_space<vmem>>) target(%dma_start3A_104 : memref<16x768xf32, #tpu.memory_space<hbm>>) target_semaphore(%arg17 : memref<!tpu.dma_semaphore, #tpu.memory_space<semaphore_mem>>)
      %add3A_105 = arith.constant 1 : i32
      %add3A_106 = arith.addi %scan3A_55, %add3A_105 : i32
      %lt3A_107 = arith.constant 16 : i32
      %lt3A_108 = arith.cmpi slt, %add3A_106, %lt3A_107 : i32
      %convert_element_type3A_109 = arith.extui %lt3A_108 : i1 to i32
      %cond3A_110 = arith.constant 0 : i32
      %cond3A_111 = arith.cmpi ne, %convert_element_type3A_109, %cond3A_110 : i32
      scf.if %cond3A_111 {
        %add3A_173 = arith.constant 64 : i32
        %add3A_174 = arith.addi %add3A_88, %add3A_173 : i32
        %dma_start3A_175 = arith.constant 0 : i32
        %dma_start3A_176 = tpu.memref_slice %arg2[%add3A_174, %dma_start3A_175] : memref<32768x768xf32, #tpu.memory_space<hbm>> -> memref<16x768xf32, #tpu.memory_space<hbm>>
        %dma_start3A_177 = arith.constant 0 : i32
        %dma_start3A_178 = tpu.memref_slice %arg2[%add3A_174, %dma_start3A_177] : memref<32768x768xf32, #tpu.memory_space<hbm>> -> memref<16x768xf32, #tpu.memory_space<hbm>>
        tpu.enqueue_dma source(%dma_start3A_178 : memref<16x768xf32, #tpu.memory_space<hbm>>) target(%arg5 : memref<16x768xf32, #tpu.memory_space<vmem>>) target_semaphore(%arg13 : memref<!tpu.dma_semaphore, #tpu.memory_space<semaphore_mem>>)
      } else {
      }
      %mul3A_112 = arith.constant 4 : i32
      %mul3A_113 = arith.muli %scan3A_55, %mul3A_112 : i32
      %add3A_114 = arith.constant 2 : i32
      %add3A_115 = arith.addi %mul3A_113, %add3A_114 : i32
      %mul3A_116 = arith.constant 16 : i32
      %mul3A_117 = arith.muli %add3A_115, %mul3A_116 : i32
      %add3A_118 = arith.addi %mul3A_2, %mul3A_117 : i32
      %dma_wait3A_119 = arith.constant 0 : i32
      %dma_wait3A_120 = tpu.memref_slice %arg2[%add3A_118, %dma_wait3A_119] : memref<32768x768xf32, #tpu.memory_space<hbm>> -> memref<16x768xf32, #tpu.memory_space<hbm>>
      %dma_wait3A_121 = arith.constant 0 : i32
      %dma_wait3A_122 = tpu.memref_slice %arg2[%add3A_118, %dma_wait3A_121] : memref<32768x768xf32, #tpu.memory_space<hbm>> -> memref<16x768xf32, #tpu.memory_space<hbm>>
      tpu.wait_dma2 semaphore(%arg14 : memref<!tpu.dma_semaphore, #tpu.memory_space<semaphore_mem>>) src(%dma_wait3A_122 : memref<16x768xf32, #tpu.memory_space<hbm>>) dst(%arg6 : memref<16x768xf32, #tpu.memory_space<vmem>>)
      %gt3A_123 = arith.constant 0 : i32
      %gt3A_124 = arith.cmpi sgt, %scan3A_55, %gt3A_123 : i32
      %convert_element_type3A_125 = arith.extui %gt3A_124 : i1 to i32
      %cond3A_126 = arith.constant 0 : i32
      %cond3A_127 = arith.cmpi ne, %convert_element_type3A_125, %cond3A_126 : i32
      scf.if %cond3A_127 {
        %sub3A = arith.constant 64 : i32
        %sub3A_173 = arith.subi %add3A_118, %sub3A : i32
        %dma_wait3A_174 = arith.constant 0 : i32
        %dma_wait3A_175 = tpu.memref_slice %arg3[%sub3A_173, %dma_wait3A_174] : memref<32768x768xf32, #tpu.memory_space<hbm>> -> memref<16x768xf32, #tpu.memory_space<hbm>>
        %dma_wait3A_176 = arith.constant 0 : i32
        %dma_wait3A_177 = tpu.memref_slice %arg3[%sub3A_173, %dma_wait3A_176] : memref<32768x768xf32, #tpu.memory_space<hbm>> -> memref<16x768xf32, #tpu.memory_space<hbm>>
        tpu.wait_dma2 semaphore(%arg18 : memref<!tpu.dma_semaphore, #tpu.memory_space<semaphore_mem>>) src(%arg10 : memref<16x768xf32, #tpu.memory_space<vmem>>) dst(%dma_wait3A_177 : memref<16x768xf32, #tpu.memory_space<hbm>>)
      } else {
      }
      %parallel_loop3A_128 = arith.constant 0 : i32
      %parallel_loop3A_129 = arith.constant 768 : i32
      %parallel_loop3A_130 = arith.constant 1 : i32
      scf.for %parallel_loop3A_173 = %parallel_loop3A_128 to %parallel_loop3A_129 step %parallel_loop3A_130  : i32 {
        %parallel_loop3A_174 = arith.constant 15 : i32
        %parallel_loop3A_175 = arith.andi %parallel_loop3A_173, %parallel_loop3A_174 : i32
        %parallel_loop3A_176 = arith.constant 4 : i32
        %parallel_loop3A_177 = arith.shrsi %parallel_loop3A_173, %parallel_loop3A_176 : i32
        %parallel_loop3A_178 = arith.constant 16 : i32
        %parallel_loop3A_179 = arith.muli %parallel_loop3A_177, %parallel_loop3A_178 : i32
        %parallel_loop3A_180 = arith.index_cast %parallel_loop3A_175 : i32 to index
        %parallel_loop3A_181 = arith.index_cast %parallel_loop3A_179 : i32 to index
        %parallel_loop3A_182 = tpu.vector_load %arg6[%parallel_loop3A_180, %parallel_loop3A_181] {strides = array<i32>} : memref<16x768xf32, #tpu.memory_space<vmem>>, vector<1x16xf32>,
        %parallel_loop3A_183 = vector.shape_cast %parallel_loop3A_182 : vector<1x16xf32> to vector<16xf32>
        %parallel_loop3A_184 = tpu.bitcast %parallel_loop3A_183 : vector<16xf32> -> vector<16xi32>
        %parallel_loop3A_185 = arith.constant -2147483648 : i32
        %parallel_loop3A_186 = vector.broadcast %parallel_loop3A_185 : i32 to vector<16xi32>
        %parallel_loop3A_187 = arith.andi %parallel_loop3A_184, %parallel_loop3A_186 : vector<16xi32>
        %parallel_loop3A_188 = arith.constant 2147483647 : i32
        %parallel_loop3A_189 = vector.broadcast %parallel_loop3A_188 : i32 to vector<16xi32>
        %parallel_loop3A_190 = arith.andi %parallel_loop3A_184, %parallel_loop3A_189 : vector<16xi32>
        %parallel_loop3A_191 = tpu.bitcast %parallel_loop3A_190 : vector<16xi32> -> vector<16xf32>
        %parallel_loop3A_192 = arith.constant 0x4B000000 : f32
        %parallel_loop3A_193 = vector.broadcast %parallel_loop3A_192 : f32 to vector<16xf32>
        %parallel_loop3A_194 = arith.addf %parallel_loop3A_191, %parallel_loop3A_193 : vector<16xf32>
        %parallel_loop3A_195 = arith.constant 0x4B000000 : f32
        %parallel_loop3A_196 = vector.broadcast %parallel_loop3A_195 : f32 to vector<16xf32>
        %parallel_loop3A_197 = arith.subf %parallel_loop3A_194, %parallel_loop3A_196 : vector<16xf32>
        %parallel_loop3A_198 = arith.constant 0x4B000000 : f32
        %parallel_loop3A_199 = vector.broadcast %parallel_loop3A_198 : f32 to vector<16xf32>
        %parallel_loop3A_200 = arith.cmpf olt, %parallel_loop3A_191, %parallel_loop3A_199 : vector<16xf32>
        %parallel_loop3A_201 = arith.select %parallel_loop3A_200, %parallel_loop3A_197, %parallel_loop3A_191 : vector<16xi1>, vector<16xf32>
        %parallel_loop3A_202 = tpu.bitcast %parallel_loop3A_201 : vector<16xf32> -> vector<16xi32>
        %parallel_loop3A_203 = arith.ori %parallel_loop3A_202, %parallel_loop3A_187 : vector<16xi32>
        %parallel_loop3A_204 = tpu.bitcast %parallel_loop3A_203 : vector<16xi32> -> vector<16xf32>
        %parallel_loop3A_205 = arith.index_cast %parallel_loop3A_175 : i32 to index
        %parallel_loop3A_206 = arith.index_cast %parallel_loop3A_179 : i32 to index
        %parallel_loop3A_207 = tpu.vector_load %arg10[%parallel_loop3A_205, %parallel_loop3A_206] {strides = array<i32>} : memref<16x768xf32, #tpu.memory_space<vmem>>, vector<1x16xf32>,
        %parallel_loop3A_208 = vector.shape_cast %parallel_loop3A_207 : vector<1x16xf32> to vector<16xf32>
        %parallel_loop3A_209 = vector.shape_cast %parallel_loop3A_204 : vector<16xf32> to vector<1x16xf32>
        tpu.vector_store %arg10[%parallel_loop3A_205, %parallel_loop3A_206], %parallel_loop3A_209 {strides = array<i32>} : memref<16x768xf32, #tpu.memory_space<vmem>>, vector<1x16xf32>,
      } {sc.loop_unroll_factor = 8 : i64, sc.parallel_access}
      %dma_start3A_131 = arith.constant 0 : i32
      %dma_start3A_132 = tpu.memref_slice %arg3[%add3A_118, %dma_start3A_131] : memref<32768x768xf32, #tpu.memory_space<hbm>> -> memref<16x768xf32, #tpu.memory_space<hbm>>
      %dma_start3A_133 = arith.constant 0 : i32
      %dma_start3A_134 = tpu.memref_slice %arg3[%add3A_118, %dma_start3A_133] : memref<32768x768xf32, #tpu.memory_space<hbm>> -> memref<16x768xf32, #tpu.memory_space<hbm>>
      tpu.enqueue_dma source(%arg10 : memref<16x768xf32, #tpu.memory_space<vmem>>) target(%dma_start3A_134 : memref<16x768xf32, #tpu.memory_space<hbm>>) target_semaphore(%arg18 : memref<!tpu.dma_semaphore, #tpu.memory_space<semaphore_mem>>)
      %add3A_135 = arith.constant 1 : i32
      %add3A_136 = arith.addi %scan3A_55, %add3A_135 : i32
      %lt3A_137 = arith.constant 16 : i32
      %lt3A_138 = arith.cmpi slt, %add3A_136, %lt3A_137 : i32
      %convert_element_type3A_139 = arith.extui %lt3A_138 : i1 to i32
      %cond3A_140 = arith.constant 0 : i32
      %cond3A_141 = arith.cmpi ne, %convert_element_type3A_139, %cond3A_140 : i32
      scf.if %cond3A_141 {
        %add3A_173 = arith.constant 64 : i32
        %add3A_174 = arith.addi %add3A_118, %add3A_173 : i32
        %dma_start3A_175 = arith.constant 0 : i32
        %dma_start3A_176 = tpu.memref_slice %arg2[%add3A_174, %dma_start3A_175] : memref<32768x768xf32, #tpu.memory_space<hbm>> -> memref<16x768xf32, #tpu.memory_space<hbm>>
        %dma_start3A_177 = arith.constant 0 : i32
        %dma_start3A_178 = tpu.memref_slice %arg2[%add3A_174, %dma_start3A_177] : memref<32768x768xf32, #tpu.memory_space<hbm>> -> memref<16x768xf32, #tpu.memory_space<hbm>>
        tpu.enqueue_dma source(%dma_start3A_178 : memref<16x768xf32, #tpu.memory_space<hbm>>) target(%arg6 : memref<16x768xf32, #tpu.memory_space<vmem>>) target_semaphore(%arg14 : memref<!tpu.dma_semaphore, #tpu.memory_space<semaphore_mem>>)
      } else {
      }
      %mul3A_142 = arith.constant 4 : i32
      %mul3A_143 = arith.muli %scan3A_55, %mul3A_142 : i32
      %add3A_144 = arith.constant 3 : i32
      %add3A_145 = arith.addi %mul3A_143, %add3A_144 : i32
      %mul3A_146 = arith.constant 16 : i32
      %mul3A_147 = arith.muli %add3A_145, %mul3A_146 : i32
      %add3A_148 = arith.addi %mul3A_2, %mul3A_147 : i32
      %dma_wait3A_149 = arith.constant 0 : i32
      %dma_wait3A_150 = tpu.memref_slice %arg2[%add3A_148, %dma_wait3A_149] : memref<32768x768xf32, #tpu.memory_space<hbm>> -> memref<16x768xf32, #tpu.memory_space<hbm>>
      %dma_wait3A_151 = arith.constant 0 : i32
      %dma_wait3A_152 = tpu.memref_slice %arg2[%add3A_148, %dma_wait3A_151] : memref<32768x768xf32, #tpu.memory_space<hbm>> -> memref<16x768xf32, #tpu.memory_space<hbm>>
      tpu.wait_dma2 semaphore(%arg15 : memref<!tpu.dma_semaphore, #tpu.memory_space<semaphore_mem>>) src(%dma_wait3A_152 : memref<16x768xf32, #tpu.memory_space<hbm>>) dst(%arg7 : memref<16x768xf32, #tpu.memory_space<vmem>>)
      %gt3A_153 = arith.constant 0 : i32
      %gt3A_154 = arith.cmpi sgt, %scan3A_55, %gt3A_153 : i32
      %convert_element_type3A_155 = arith.extui %gt3A_154 : i1 to i32
      %cond3A_156 = arith.constant 0 : i32
      %cond3A_157 = arith.cmpi ne, %convert_element_type3A_155, %cond3A_156 : i32
      scf.if %cond3A_157 {
        %sub3A = arith.constant 64 : i32
        %sub3A_173 = arith.subi %add3A_148, %sub3A : i32
        %dma_wait3A_174 = arith.constant 0 : i32
        %dma_wait3A_175 = tpu.memref_slice %arg3[%sub3A_173, %dma_wait3A_174] : memref<32768x768xf32, #tpu.memory_space<hbm>> -> memref<16x768xf32, #tpu.memory_space<hbm>>
        %dma_wait3A_176 = arith.constant 0 : i32
        %dma_wait3A_177 = tpu.memref_slice %arg3[%sub3A_173, %dma_wait3A_176] : memref<32768x768xf32, #tpu.memory_space<hbm>> -> memref<16x768xf32, #tpu.memory_space<hbm>>
        tpu.wait_dma2 semaphore(%arg19 : memref<!tpu.dma_semaphore, #tpu.memory_space<semaphore_mem>>) src(%arg11 : memref<16x768xf32, #tpu.memory_space<vmem>>) dst(%dma_wait3A_177 : memref<16x768xf32, #tpu.memory_space<hbm>>)
      } else {
      }
      %parallel_loop3A_158 = arith.constant 0 : i32
      %parallel_loop3A_159 = arith.constant 768 : i32
      %parallel_loop3A_160 = arith.constant 1 : i32
      scf.for %parallel_loop3A_173 = %parallel_loop3A_158 to %parallel_loop3A_159 step %parallel_loop3A_160  : i32 {
        %parallel_loop3A_174 = arith.constant 15 : i32
        %parallel_loop3A_175 = arith.andi %parallel_loop3A_173, %parallel_loop3A_174 : i32
        %parallel_loop3A_176 = arith.constant 4 : i32
        %parallel_loop3A_177 = arith.shrsi %parallel_loop3A_173, %parallel_loop3A_176 : i32
        %parallel_loop3A_178 = arith.constant 16 : i32
        %parallel_loop3A_179 = arith.muli %parallel_loop3A_177, %parallel_loop3A_178 : i32
        %parallel_loop3A_180 = arith.index_cast %parallel_loop3A_175 : i32 to index
        %parallel_loop3A_181 = arith.index_cast %parallel_loop3A_179 : i32 to index
        %parallel_loop3A_182 = tpu.vector_load %arg7[%parallel_loop3A_180, %parallel_loop3A_181] {strides = array<i32>} : memref<16x768xf32, #tpu.memory_space<vmem>>, vector<1x16xf32>,
        %parallel_loop3A_183 = vector.shape_cast %parallel_loop3A_182 : vector<1x16xf32> to vector<16xf32>
        %parallel_loop3A_184 = tpu.bitcast %parallel_loop3A_183 : vector<16xf32> -> vector<16xi32>
        %parallel_loop3A_185 = arith.constant -2147483648 : i32
        %parallel_loop3A_186 = vector.broadcast %parallel_loop3A_185 : i32 to vector<16xi32>
        %parallel_loop3A_187 = arith.andi %parallel_loop3A_184, %parallel_loop3A_186 : vector<16xi32>
        %parallel_loop3A_188 = arith.constant 2147483647 : i32
        %parallel_loop3A_189 = vector.broadcast %parallel_loop3A_188 : i32 to vector<16xi32>
        %parallel_loop3A_190 = arith.andi %parallel_loop3A_184, %parallel_loop3A_189 : vector<16xi32>
        %parallel_loop3A_191 = tpu.bitcast %parallel_loop3A_190 : vector<16xi32> -> vector<16xf32>
        %parallel_loop3A_192 = arith.constant 0x4B000000 : f32
        %parallel_loop3A_193 = vector.broadcast %parallel_loop3A_192 : f32 to vector<16xf32>
        %parallel_loop3A_194 = arith.addf %parallel_loop3A_191, %parallel_loop3A_193 : vector<16xf32>
        %parallel_loop3A_195 = arith.constant 0x4B000000 : f32
        %parallel_loop3A_196 = vector.broadcast %parallel_loop3A_195 : f32 to vector<16xf32>
        %parallel_loop3A_197 = arith.subf %parallel_loop3A_194, %parallel_loop3A_196 : vector<16xf32>
        %parallel_loop3A_198 = arith.constant 0x4B000000 : f32
        %parallel_loop3A_199 = vector.broadcast %parallel_loop3A_198 : f32 to vector<16xf32>
        %parallel_loop3A_200 = arith.cmpf olt, %parallel_loop3A_191, %parallel_loop3A_199 : vector<16xf32>
        %parallel_loop3A_201 = arith.select %parallel_loop3A_200, %parallel_loop3A_197, %parallel_loop3A_191 : vector<16xi1>, vector<16xf32>
        %parallel_loop3A_202 = tpu.bitcast %parallel_loop3A_201 : vector<16xf32> -> vector<16xi32>
        %parallel_loop3A_203 = arith.ori %parallel_loop3A_202, %parallel_loop3A_187 : vector<16xi32>
        %parallel_loop3A_204 = tpu.bitcast %parallel_loop3A_203 : vector<16xi32> -> vector<16xf32>
        %parallel_loop3A_205 = arith.index_cast %parallel_loop3A_175 : i32 to index
        %parallel_loop3A_206 = arith.index_cast %parallel_loop3A_179 : i32 to index
        %parallel_loop3A_207 = tpu.vector_load %arg11[%parallel_loop3A_205, %parallel_loop3A_206] {strides = array<i32>} : memref<16x768xf32, #tpu.memory_space<vmem>>, vector<1x16xf32>,
        %parallel_loop3A_208 = vector.shape_cast %parallel_loop3A_207 : vector<1x16xf32> to vector<16xf32>
        %parallel_loop3A_209 = vector.shape_cast %parallel_loop3A_204 : vector<16xf32> to vector<1x16xf32>
        tpu.vector_store %arg11[%parallel_loop3A_205, %parallel_loop3A_206], %parallel_loop3A_209 {strides = array<i32>} : memref<16x768xf32, #tpu.memory_space<vmem>>, vector<1x16xf32>,
      } {sc.loop_unroll_factor = 8 : i64, sc.parallel_access}
      %dma_start3A_161 = arith.constant 0 : i32
      %dma_start3A_162 = tpu.memref_slice %arg3[%add3A_148, %dma_start3A_161] : memref<32768x768xf32, #tpu.memory_space<hbm>> -> memref<16x768xf32, #tpu.memory_space<hbm>>
      %dma_start3A_163 = arith.constant 0 : i32
      %dma_start3A_164 = tpu.memref_slice %arg3[%add3A_148, %dma_start3A_163] : memref<32768x768xf32, #tpu.memory_space<hbm>> -> memref<16x768xf32, #tpu.memory_space<hbm>>
      tpu.enqueue_dma source(%arg11 : memref<16x768xf32, #tpu.memory_space<vmem>>) target(%dma_start3A_164 : memref<16x768xf32, #tpu.memory_space<hbm>>) target_semaphore(%arg19 : memref<!tpu.dma_semaphore, #tpu.memory_space<semaphore_mem>>)
      %add3A_165 = arith.constant 1 : i32
      %add3A_166 = arith.addi %scan3A_55, %add3A_165 : i32
      %lt3A_167 = arith.constant 16 : i32
      %lt3A_168 = arith.cmpi slt, %add3A_166, %lt3A_167 : i32
      %convert_element_type3A_169 = arith.extui %lt3A_168 : i1 to i32
      %cond3A_170 = arith.constant 0 : i32
      %cond3A_171 = arith.cmpi ne, %convert_element_type3A_169, %cond3A_170 : i32
      scf.if %cond3A_171 {
        %add3A_173 = arith.constant 64 : i32
        %add3A_174 = arith.addi %add3A_148, %add3A_173 : i32
        %dma_start3A_175 = arith.constant 0 : i32
        %dma_start3A_176 = tpu.memref_slice %arg2[%add3A_174, %dma_start3A_175] : memref<32768x768xf32, #tpu.memory_space<hbm>> -> memref<16x768xf32, #tpu.memory_space<hbm>>
        %dma_start3A_177 = arith.constant 0 : i32
        %dma_start3A_178 = tpu.memref_slice %arg2[%add3A_174, %dma_start3A_177] : memref<32768x768xf32, #tpu.memory_space<hbm>> -> memref<16x768xf32, #tpu.memory_space<hbm>>
        tpu.enqueue_dma source(%dma_start3A_178 : memref<16x768xf32, #tpu.memory_space<hbm>>) target(%arg7 : memref<16x768xf32, #tpu.memory_space<vmem>>) target_semaphore(%arg15 : memref<!tpu.dma_semaphore, #tpu.memory_space<semaphore_mem>>)
      } else {
      }
      %scan3A_172 = arith.constant 0 : i32
      scf.yield %scan3A_172 : i32
    }
    %scan3A_31 = arith.constant 16 : i32
    %add3A_32 = arith.constant 960 : i32
    %add3A_33 = arith.addi %mul3A_2, %add3A_32 : i32
    %dma_wait3A = arith.constant 0 : i32
    %dma_wait3A_34 = tpu.memref_slice %arg3[%add3A_33, %dma_wait3A] : memref<32768x768xf32, #tpu.memory_space<hbm>> -> memref<16x768xf32, #tpu.memory_space<hbm>>
    %dma_wait3A_35 = arith.constant 0 : i32
    %dma_wait3A_36 = tpu.memref_slice %arg3[%add3A_33, %dma_wait3A_35] : memref<32768x768xf32, #tpu.memory_space<hbm>> -> memref<16x768xf32, #tpu.memory_space<hbm>>
    tpu.wait_dma2 semaphore(%arg16 : memref<!tpu.dma_semaphore, #tpu.memory_space<semaphore_mem>>) src(%arg8 : memref<16x768xf32, #tpu.memory_space<vmem>>) dst(%dma_wait3A_36 : memref<16x768xf32, #tpu.memory_space<hbm>>)
    %add3A_37 = arith.constant 976 : i32
    %add3A_38 = arith.addi %mul3A_2, %add3A_37 : i32
    %dma_wait3A_39 = arith.constant 0 : i32
    %dma_wait3A_40 = tpu.memref_slice %arg3[%add3A_38, %dma_wait3A_39] : memref<32768x768xf32, #tpu.memory_space<hbm>> -> memref<16x768xf32, #tpu.memory_space<hbm>>
    %dma_wait3A_41 = arith.constant 0 : i32
    %dma_wait3A_42 = tpu.memref_slice %arg3[%add3A_38, %dma_wait3A_41] : memref<32768x768xf32, #tpu.memory_space<hbm>> -> memref<16x768xf32, #tpu.memory_space<hbm>>
    tpu.wait_dma2 semaphore(%arg17 : memref<!tpu.dma_semaphore, #tpu.memory_space<semaphore_mem>>) src(%arg9 : memref<16x768xf32, #tpu.memory_space<vmem>>) dst(%dma_wait3A_42 : memref<16x768xf32, #tpu.memory_space<hbm>>)
    %add3A_43 = arith.constant 992 : i32
    %add3A_44 = arith.addi %mul3A_2, %add3A_43 : i32
    %dma_wait3A_45 = arith.constant 0 : i32
    %dma_wait3A_46 = tpu.memref_slice %arg3[%add3A_44, %dma_wait3A_45] : memref<32768x768xf32, #tpu.memory_space<hbm>> -> memref<16x768xf32, #tpu.memory_space<hbm>>
    %dma_wait3A_47 = arith.constant 0 : i32
    %dma_wait3A_48 = tpu.memref_slice %arg3[%add3A_44, %dma_wait3A_47] : memref<32768x768xf32, #tpu.memory_space<hbm>> -> memref<16x768xf32, #tpu.memory_space<hbm>>
    tpu.wait_dma2 semaphore(%arg18 : memref<!tpu.dma_semaphore, #tpu.memory_space<semaphore_mem>>) src(%arg10 : memref<16x768xf32, #tpu.memory_space<vmem>>) dst(%dma_wait3A_48 : memref<16x768xf32, #tpu.memory_space<hbm>>)
    %add3A_49 = arith.constant 1008 : i32
    %add3A_50 = arith.addi %mul3A_2, %add3A_49 : i32
    %dma_wait3A_51 = arith.constant 0 : i32
    %dma_wait3A_52 = tpu.memref_slice %arg3[%add3A_50, %dma_wait3A_51] : memref<32768x768xf32, #tpu.memory_space<hbm>> -> memref<16x768xf32, #tpu.memory_space<hbm>>
    %dma_wait3A_53 = arith.constant 0 : i32
    %dma_wait3A_54 = tpu.memref_slice %arg3[%add3A_50, %dma_wait3A_53] : memref<32768x768xf32, #tpu.memory_space<hbm>> -> memref<16x768xf32, #tpu.memory_space<hbm>>
    tpu.wait_dma2 semaphore(%arg19 : memref<!tpu.dma_semaphore, #tpu.memory_space<semaphore_mem>>) src(%arg11 : memref<16x768xf32, #tpu.memory_space<vmem>>) dst(%dma_wait3A_54 : memref<16x768xf32, #tpu.memory_space<hbm>>)
    return
  }
}

</mosaic_0001>

<sc_bundles>
// kernel: _sc_round.3.cloned.1.call-start
scs
__scs_entry_jumppad:
0x0: {  	(pc) =	sbr.rel $0x88, $3  }
0x1: {  	(tag) =	ssettag $0x0;
	lr =	simm.s32 $0x1  }
0x2: {  	[smem:$0x3FA0] =	sst lr;
	_ =	strace $0xD0000000  }
0x3: {  	_ = 	snop  }
0x4: {  	_ = 	snop  }
0x5: {  	_ = 	snop  }
0x6: {  	_ = 	snop  }
0x7: {  	_ = 	snop  }
__scs_overlays_trampoline_lowered:
0x8: {  	[smem:$0x3FAF] =	sst s0  }
0x9: {  	[smem:$0x3FB0] =	sst s1  }
0xa: {  	[smem:$0x3FB1] =	sst s2  }
0xb: {  	[smem:$0x3FB2] =	sst s3  }
0xc: {  	[smem:$0x3FB3] =	sst s4  }
0xd: {  	[smem:$0x3FB4] =	sst s5  }
0xe: {  	[smem:$0x3FB5] =	sst s6  }
0xf: {  	[smem:$0x3FB6] =	sst s7  }
0x10: {  	[smem:$0x3FB7] =	sst s8  }
0x11: {  	[smem:$0x3FB8] =	sst s9;
	s0 =	simm.s32 @!p0 $0x0  }
0x12: {  	s1 =	sld [smem:$0x3F9E];
	s0 =	simm.s32 @p0 $0x1  }
0x13: {  	[smem:$0x3FB9] =	sst s0;
	s0 =	simm.s32 @!p1 $0x0  }
0x14: {  	s2 =	sld [smem:$0x3F9D];
	s0 =	simm.s32 @p1 $0x1  }
0x15: {  	[smem:$0x3FBA] =	sst s0;
	s0 =	simm.s32 @!p2 $0x0  }
0x16: {  	s3 =	sld [smem:$0x3FDB];
	s0 =	simm.s32 @p2 $0x1  }
0x17: {  	s4 =	simm.s32 $0x1BF5;
	[smem:$0x3FBC] =	sst s0  }
0x18: {  	s0 =	sld [smem:$0x3F9F];
	_ =	swait.ge [sflag:s4], $0x0  }
0x19: {  	s7 =	sld [smem:$0x3FA0]  }
0x1a: {  	s8 =	sadd.s32 $0xFFFFE003, lr  }
0x1b: {  	s9 =	sadd.s32 $0xFFFFFEF7, lr;
	s5 =	simm.s32 $0xFFFFFFFF;
	p2 =	slt.u32 s8, $0xFFFFF086  }
0x1c: {  	p1 =	slt.u32 s9, $0xF7A;
	s5 =	simm.s32 @!p2 $0x0  }
0x1d: {  	s5 =	simm.s32 @p1 $0x1;
	p0 =	seq.s32 s7, s2  }
0x1e: {  	s7 =	smul.u32 @!p0 $0xF7A, s2;
	p2 =	seq.s32 @!p0 s5, $0x0  }
0x1f: {  	s9 =	smul.u32 $0xF7A, s1;
	s8 =	simm.s32 @!p0 $0x1BF5;
	p2 =	por !p2, p0  }
0x20: {  	[sflag:s8] =	ssyncset.s32 @!p0 $0xFFFFF086;
	s6 =	sadd.s32 @!p0 s3, s7;
	s7 =	simm.s32 @!p0 $0x108  }
0x21: {  	s3 =	sadd.s32 s3, s9;
	s6 =	sadd.s32 @!p0 $0x88, s6;
	s7 =	simm.s32 @p2 $0x1082  }
0x22: {  	[simem:s7], [sflag:s8] =	dma.local @!p0 [hbm:s6], $0xF7A  }
0x23: {  	s9 =	sor.u32 $0xD0000000, s2;
	s6 =	simm.s32 $0x108;
	_ =	swait.ge @!p0 [sflag:s8], $0x0  }
0x24: {  	s3 =	sadd.s32 $0x88, s3;
	s6 =	simm.s32 @!p1 $0x1082;
	[sflag:s4] =	ssyncset.s32 $0xFFFFF086  }
0x25: {  	[simem:s6], [sflag:s4] =	dma.local [hbm:s3], $0xF7A  }
0x26: {  	[smem:$0x3FA0] =	sst s1;
	(tag) =	ssettag s2;
	_ =	strace s9  }
0x27: {  	s1 =	sld [smem:$0x3FB0]  }
0x28: {  	s2 =	sld [smem:$0x3FB1]  }
0x29: {  	s4 =	sld [smem:$0x3FB3]  }
0x2a: {  	p0 =	seq.s32 s5, $0x0;
	s5 =	sld [smem:$0x3FB4]  }
0x2b: {  	s6 =	sld [smem:$0x3FB5]  }
0x2c: {  	s7 =	sld [smem:$0x3FB6]  }
0x2d: {  	s3 =	simm.s32 $0x108;
	s8 =	sld [smem:$0x3FB7]  }
0x2e: {  	s3 =	simm.s32 @!p0 $0x1082;
	s9 =	sld [smem:$0x3FB8]  }
0x2f: {  	lr =	sadd.s32 s0, s3;
	s0 =	sld [smem:$0x3FAF]  }
0x30: {  	s3 =	sld [smem:$0x3FB2]  }
0x31: {  	[smem:$0x3FBB] =	sst s10  }
0x32: {  	s10 =	sld [smem:$0x3FB9];
	_ =	sdelay $0x3  }
0x33: {  	p0 =	seq.s32 s10, $0x1;
	s10 =	sld [smem:$0x3FBB];
	_ =	sdelay $0x3  }
0x34: {  	[smem:$0x3FBB] =	sst s10  }
0x35: {  	s10 =	sld [smem:$0x3FBA];
	_ =	sdelay $0x3  }
0x36: {  	p1 =	seq.s32 s10, $0x1;
	s10 =	sld [smem:$0x3FBB];
	_ =	sdelay $0x3  }
0x37: {  	[smem:$0x3FBB] =	sst s10  }
0x38: {  	s10 =	sld [smem:$0x3FBC]  }
0x39: {  	_ = 	snop;
	(pc) =	sbr.ind lr, $3  }
0x3a: {  	_ = 	snop  }
0x3b: {  	_ = 	snop  }
0x3c: {  	p2 =	seq.s32 s10, $0x1;
	s10 =	sld [smem:$0x3FBB]  }
0x3d: {  	_ =	shalt  }
0x3e: {  	_ =	shalt  }
0x3f: {  	_ =	shalt  }
0x40: {  	_ =	shalt  }
0x41: {  	_ =	shalt  }
0x42: {  	_ =	shalt  }
0x43: {  	_ =	shalt  }
0x44: {  	_ =	shalt  }
0x45: {  	_ =	shalt  }
0x46: {  	_ =	shalt  }
0x47: {  	_ =	shalt  }
0x48: {  	_ =	shalt  }
0x49: {  	_ =	shalt  }
0x4a: {  	_ =	shalt  }
0x4b: {  	_ =	shalt  }
0x4c: {  	_ =	shalt  }
0x4d: {  	_ =	shalt  }
0x4e: {  	_ =	shalt  }
0x4f: {  	_ =	shalt  }
0x50: {  	_ =	shalt  }
0x51: {  	_ =	shalt  }
0x52: {  	_ =	shalt  }
0x53: {  	_ =	shalt  }
0x54: {  	_ =	shalt  }
0x55: {  	_ =	shalt  }
0x56: {  	_ =	shalt  }
0x57: {  	_ =	shalt  }
0x58: {  	_ =	shalt  }
0x59: {  	_ =	shalt  }
0x5a: {  	_ =	shalt  }
0x5b: {  	_ =	shalt  }
0x5c: {  	_ =	shalt  }
0x5d: {  	_ =	shalt  }
0x5e: {  	_ =	shalt  }
0x5f: {  	_ =	shalt  }
0x60: {  	_ =	shalt  }
0x61: {  	_ =	shalt  }
0x62: {  	_ =	shalt  }
0x63: {  	_ =	shalt  }
0x64: {  	_ =	shalt  }
0x65: {  	_ =	shalt  }
0x66: {  	_ =	shalt  }
0x67: {  	_ =	shalt  }
0x68: {  	_ =	shalt  }
0x69: {  	_ =	shalt  }
0x6a: {  	_ =	shalt  }
0x6b: {  	_ =	shalt  }
0x6c: {  	_ =	shalt  }
0x6d: {  	_ =	shalt  }
0x6e: {  	_ =	shalt  }
0x6f: {  	_ =	shalt  }
0x70: {  	_ =	shalt  }
0x71: {  	_ =	shalt  }
0x72: {  	_ =	shalt  }
0x73: {  	_ =	shalt  }
0x74: {  	_ =	shalt  }
0x75: {  	_ =	shalt  }
0x76: {  	_ =	shalt  }
0x77: {  	_ =	shalt  }
0x78: {  	_ =	shalt  }
0x79: {  	_ =	shalt  }
0x7a: {  	_ =	shalt  }
0x7b: {  	_ =	shalt  }
0x7c: {  	_ =	shalt  }
0x7d: {  	_ =	shalt  }
0x7e: {  	_ =	shalt  }
0x7f: {  	_ =	shalt  }
0x80: {  	_ =	shalt  }
0x81: {  	_ =	shalt  }
0x82: {  	_ =	shalt  }
0x83: {  	_ =	shalt  }
0x84: {  	_ =	shalt  }
0x85: {  	_ =	shalt  }
0x86: {  	_ =	shalt  }
0x87: {  	_ =	shalt  }
.Lfunc_end0:
.L_simem_size_0:
called_computation_lowered:
.L_overlay_start_0:
0x88: {  	s2 =	sld [smem:$0x3FD9]  }
0x89: {  	s3 =	sld [smem:$0x3FFE];
	_ =	sdelay $0x1  }
0x8a: {  	s1 =	srdreg.scid  }
0x8b: {  	s0 =	sand.u32 $0x1, s1  }
0x8c: {  	s18 =	sshll.u32 s0, $0xA;
	s2 =	sadd.s32 s3, s2  }
0x8d: {  	s2 =	sadd.s32 s2, s18  }
0x8e: {  	[smem:$0x3FC7] =	sst s2  }
0x8f: {  	_ = 	snop  }
0x90: {  	s2 =	sld [smem:$0x3FC9]  }
0x91: {  	s19 =	sld [smem:$0x3FD0];
	(tm) =	ssettm $0x1  }
0x92: {  	s4 =	sld [smem:$0x3FFB];
	_ =	sdelay $0x3  }
0x93: {  	_ =	strace s4  }
0x94: {  	s4 =	sld [smem:$0x3FFC];
	_ =	sdelay $0x3  }
0x95: {  	_ =	strace s4  }
0x96: {  	s4 =	sld [smem:$0x3FFD];
	_ =	sdelay $0x3  }
0x97: {  	_ =	strace s4  }
0x98: {  	_ =	strace $0x8FFFFFFF  }
0x99: {  	s20 =	sld [smem:$0x3FDB];
	_ =	sdelay $0x1  }
0x9a: {  	s5 =	simm.s32 $_scs_section_size  }
0x9b: {  	s6 =	simm.s32 $_size__tile_overlayer_lowered;
	s7 =	simm.s32 $_tile_overlayer_lowered  }
0x9c: {  	s23 =	simm.s32 $0x1BFF;
	s22 =	sshll.u32 s7, $0x1;
	s4 =	sadd.s32 s5, s20  }
0x9d: {  	s8 =	simm.s32 $0x0;
	s21 =	sshll.u32 s6, $0x1;
	s6 =	sadd.s32 s22, s4  }
0x9e: {  	[timem:s8], [sflag:s23] =	dma.local [hbm:s6], s21  }
0x9f: {  	_ =	swait.ge [sflag:s23], s21  }
0xa0: {  	s5 =	ssub.s32 $0x0, s21;
	[sflag:s23] =	ssyncset.done $0x0  }
0xa1: {  	[sflag:s23] =	ssyncadd.s32 s5;
	_ =	sdelay $0x1  }
0xa2: {  	s24 =	simm.s32 $0x1B8B  }
0xa3: {  	_ =	swait.ge [sflag:s24], $0x1  }
0xa4: {  	[sflag:s24] =	ssyncset.done $0x0  }
0xa5: {  	s25 =	simm.s32 $0x1B8E;
	[sflag:s24] =	ssyncadd.s32 $0xFFFFFFFF  }
0xa6: {  	s26 =	simm.s32 $execute0_lowered;
	[smem:$0x3FD2] =	sst s25  }
0xa7: {  	s5 =	sshll.u32 s26, $0x1;
	_ =	strace $0x80000046;
	[dreg:$0x1] =	wrdreg $0xFFFFFFFF  }
0xa8: {  	s28 =	simm.s32 $_size_execute0_lowered;
	s4 =	sadd.s32 s4, s5;
	[dreg:$0x0] =	wrdreg $0x0  }
0xa9: {  	s5 =	sshll.u32 s28, $0x1;
	[dreg:$0x2] =	wrdreg s4  }
0xaa: {  	[dreg:$0x3] =	wrdreg s5  }
0xab: {  	[dreg:$0x4] =	wrdreg $0xC0  }
0xac: {  	_ =	task [dreg:s8], $0x5FFFF  }
0xad: {  	[dreg:$0x1] =	wrdreg $0xFFFFFFFF  }
0xae: {  	[dreg:$0x0] =	wrdreg $0x60  }
0xaf: {  	[dreg:$0x2] =	wrdreg s2  }
0xb0: {  	[dreg:$0x3] =	wrdreg s19  }
0xb1: {  	[dreg:$0x4] =	wrdreg $0x9  }
0xb2: {  	_ =	task.clear_ibuf [dreg:s8], $0x5FFFF;
	_ =	strace $0x90000046  }
0xb3: {  	s29 =	simm.s32 $0x9;
	_ =	strace $0x80000048  }
0xb4: {  	_ =	swait.ge [sflag:s29], $0x1  }
0xb5: {  	[sflag:s29] =	ssyncadd.s32 $0xFFFFFFFF  }
0xb6: {  	_ =	strace $0x90000048  }
0xb7: {  	_ =	sfence  }
0xb8: {  	s30 =	sld [smem:$0x0];
	_ =	sdelay $0x2  }
0xb9: {  	s31 =	sshll.u32 s1, $0xD;
	s1 =	sshrl.u32 s1, $0x2  }
0xba: {  	s3 =	sand.u32 $0x4000, s31;
	s1 =	sadd.s32 s1, s30  }
0xbb: {  	s0 =	sor.u32 s3, s0;
	s1 =	sshll.u32 s1, $0x11  }
0xbc: {  	s0 =	sor.u32 s1, s0  }
0xbd: {  	s0 =	sadd.s32 $0x8F2B, s0  }
0xbe: {  	[sflag:s0] =	ssyncadd.remote.s32 $0x1  }
0xbf: {  	_ =	sfence.sel $0xFFFF  }
0xc0: {  	[dreg:$0x0] =	wrdreg $0xFFFFFFFF;
	(pc) =	sbr.abs _section_cstart, $3  }
0xc1: {  	[dreg:$0x1] =	wrdreg $0xFFFFFFFF  }
0xc2: {  	_ =	task.clear_ibuf [dreg:s8], $0x2FFFF;
	_ =	strace $0x9FFFFFFF  }
0xc3: {  	(tm) =	ssettm $0x7FFFFFFF  }
tec
execute0_lowered:
.L_overlay_start_1:
0x0: {  	(tag) =	ssettag $0x1  }
0x1: {  	s0 =	srdreg.scid;
	s3 =	rddreg [dreg:$0x0]  }
0x2: {  	s1 =	stileid.u32;
	s4 =	rddreg [dreg:$0x1]  }
0x3: {  	s5 =	simm.s32 $0x0;
	s13 =	simm.s32 $0x3000;
	s14 =	simm.s32 $0x6000  }
0x4: {  	s16 =	simm.s32 $0x1;
	s17 =	simm.s32 $0xC000;
	s18 =	simm.s32 $0x2  }
0x5: {  	s19 =	simm.s32 $0x6;
	s20 =	simm.s32 $0xF000;
	s0 =	sand.u32 $0x1, s0  }
0x6: {  	s21 =	simm.s32 $0x3;
	s1 =	sshll.u32 s1, $0xB;
	s2 =	sshll.u32 s0, $0xA  }
0x7: {  	s22 =	simm.s32 $0x7;
	s0 =	ssub.s32 $0x2, s0;
	s2 =	sor.u32 s2, s1  }
0x8: {  	s23 =	simm.s32 $0x12000;
	s7 =	sshrl.u32 s0, $0x1;
	s1 =	sshrl.u32 s2, $0x3  }
0x9: {  	s24 =	simm.s32 $0x4;
	s0 =	ssub.s32 s0, s7;
	s1 =	smul.u32 $0x300, s1  }
0xa: {  	s25 =	simm.s32 $0x8;
	[smem:$0x7FF] =	sst s5;
	s0 =	smax.u32 s0, $0x1  }
0xb: {  	_ =	strace $0x80000047;
	[dreg:$0x7] =	wrdreg s0;
	s1 =	sadd.s32 s3, s1  }
0xc: {  	s26 =	simm.s32 $0x15000;
	s6 =	sadd.s32 $0x600, s1;
	[dreg:$0x3] =	wrdreg s1  }
0xd: {  	s28 =	simm.s32 $0x5;
	s31 =	sadd.s32 $0xC00, s1;
	[dreg:$0x4] =	wrdreg s6  }
0xe: {  	s29 =	simm.s32 $0x0;
	s1 =	sadd.s32 $0x1200, s1;
	[dreg:$0x5] =	wrdreg s31  }
0xf: {  	s11 =	sadd.s32 $0xC00, s4;
	s12 =	sadd.s32 $0x1200, s4;
	[dreg:$0x6] =	wrdreg s1  }
.LBB2_1:
0x10: {  	s0 =	rddreg [dreg:$0x3]  }
0x11: {  	[tilespmem:s5], [sflag:$0x1] =	stream.linear.gather [hbm4b:s0+s5], $0x3000, $0x38;
	[tilespmem:$0x18000] =	vst v63  }
0x12: {  	s10 =	rddreg [dreg:$0x4]  }
0x13: {  	[tilespmem:s13], [sflag:$0x2] =	stream.linear.gather [hbm4b:s10+s5], $0x3000, $0x38;
	[tilespmem:$0x18000] =	vst v63  }
0x14: {  	s15 =	rddreg [dreg:$0x5]  }
0x15: {  	[tilespmem:s14], [sflag:$0x3] =	stream.linear.gather [hbm4b:s15+s5], $0x3000, $0x38;
	[tilespmem:$0x18000] =	vst v63  }
0x16: {  	s31 =	rddreg [dreg:$0x6];
	s1 =	simm.s32 $0x9000;
	s30 =	simm.s32 $0x0  }
0x17: {  	[tilespmem:s1], [sflag:$0x4] =	stream.linear.gather [hbm4b:s31+s5], $0x3000, $0x38;
	[tilespmem:$0x18000] =	vst v63  }
.LBB2_2:
0x18: {  	_ =	swait.ge [sflag:s16], $0x3000;
	p0 =	seq.s32 s30, $0x0  }
0x19: {  	s1 =	simm.s32 $0x0;
	s7 =	simm.s32 $0x0;
	[sflag:s16] =	ssyncset.done $0x0  }
0x1a: {  	s15 =	simm.s32 $0x0;
	s0 =	simm.s32 @!p0 $0x5;
	[sflag:s16] =	ssyncadd.s32 $0xFFFFD000  }
0x1b: {  	s7 =	sand.u32 $0x1800, s7;
	s8 =	sand.u32 $0x1C00, s1;
	_ =	swait.ge @!p0 [sflag:s0], $0x3000  }
0x1c: {  	s31 =	sand.u32 $0x70, s15;
	s7 =	sadd.s32 s8, s7;
	[sflag:s0] =	ssyncset.done @!p0 $0x0  }
0x1d: {  	[sflag:s0] =	ssyncadd.s32 @!p0 $0xFFFFD000;
	s0 =	sor.u32 s31, s7  }
0x1e: {  	v12 =	vld [tilespmem:s0+$0x380]  }
0x1f: {  	v4 =	vld [tilespmem:s0+$0x0]  }
0x20: {  	v0 =	vld [tilespmem:s0+$0x80]  }
0x21: {  	v1 =	vld [tilespmem:s0+$0x100]  }
0x22: {  	v2 =	vld [tilespmem:s0+$0x180];
	_ =	sdelay $0x2  }
0x23: {  	v3 =	vld [tilespmem:s0+$0x200];
	v13 =	vand.u32 $0x7FFFFFFF, v12  }
0x24: {  	v6 =	vand.u32 $0x80000000, v4;
	v7 =	vand.u32 $0x7FFFFFFF, v4;
	v4 =	vld [tilespmem:s0+$0x280];
	v10 =	vadd.f32 $8.388608000e+06, v13  }
0x25: {  	v5 =	vld [tilespmem:s0+$0x300];
	v8 =	vand.u32 $0x7FFFFFFF, v0;
	v9 =	vand.u32 $0x7FFFFFFF, v1;
	v11 =	vand.u32 $0x7FFFFFFF, v2  }
0x26: {  	v19 =	vand.u32 $0x80000000, v12;
	v14 =	vadd.f32 $8.388608000e+06, v7;
	v17 =	vadd.f32 $-8.388608000e+06, v10  }
0x27: {  	vm0 =	vlt.f32 v7, $8.388608000e+06;
	v15 =	vadd.f32 $8.388608000e+06, v8;
	vm1 =	vlt.f32 v13, $8.388608000e+06  }
0x28: {  	v16 =	vadd.f32 $8.388608000e+06, v9;
	v18 =	vadd.f32 $8.388608000e+06, v11;
	v13 =	vsel vm1, v17, v13  }
0x29: {  	s10 =	sshll.u32 s30, $0x6;
	v10 =	vand.u32 $0x7FFFFFFF, v3;
	v12 =	vand.u32 $0x7FFFFFFF, v4;
	v20 =	vor.u32 v13, v19  }
0x2a: {  	s31 =	sor.u32 s2, s10;
	v19 =	vadd.f32 $8.388608000e+06, v10;
	v17 =	vadd.f32 $8.388608000e+06, v12;
	v13 =	vand.u32 $0x7FFFFFFF, v5;
	[tilespmem:s0+$0xC380] =	vst v20  }
.LBB2_3:
0x2b: {  	s15 =	sadd.s32 $0x8, s15;
	v14 =	vadd.f32 $-8.388608000e+06, v14;
	vm1 =	vlt.f32 v8, $8.388608000e+06;
	v20 =	vadd.f32 $8.388608000e+06, v13  }
0x2c: {  	v15 =	vadd.f32 $-8.388608000e+06, v15;
	v16 =	vadd.f32 $-8.388608000e+06, v16;
	vm2 =	vlt.f32 v9, $8.388608000e+06;
	s7 =	sshll.u32 s15, $0x1C;
	p1 =	slt.u32 s15, $0x2F8  }
0x2d: {  	v18 =	vadd.f32 $-8.388608000e+06, v18;
	vm3 =	vlt.f32 v11, $8.388608000e+06;
	s1 =	sadd.s32 $0x40, s1;
	v19 =	vadd.f32 $-8.388608000e+06, v19;
	s7 =	sshra.s32 s7, $0x1F  }
0x2e: {  	vm4 =	vlt.f32 v10, $8.388608000e+06;
	s8 =	sand.u32 $0x1C00, s1;
	v17 =	vadd.f32 $-8.388608000e+06, v17;
	v20 =	vadd.f32 $-8.388608000e+06, v20;
	s7 =	sand.u32 $0x1800, s7  }
0x2f: {  	vm5 =	vlt.f32 v13, $8.388608000e+06;
	s9 =	sand.u32 $0x70, s15;
	v7 =	vsel vm0, v14, v7;
	vm0 =	vlt.f32 v12, $8.388608000e+06;
	s7 =	sadd.s32 s8, s7  }
0x30: {  	v8 =	vsel vm1, v15, v8;
	v9 =	vsel vm2, v16, v9;
	v11 =	vsel vm3, v18, v11;
	s7 =	sor.u32 s9, s7  }
0x31: {  	v10 =	vsel vm4, v19, v10;
	v12 =	vsel vm0, v17, v12;
	v13 =	vsel vm5, v20, v13;
	v18 =	vld [tilespmem:s7+$0x380]  }
0x32: {  	v15 =	vand.u32 $0x80000000, v0;
	v16 =	vand.u32 $0x80000000, v1;
	v17 =	vand.u32 $0x80000000, v2;
	v14 =	vld [tilespmem:s7+$0x0]  }
0x33: {  	v3 =	vand.u32 $0x80000000, v3;
	v4 =	vand.u32 $0x80000000, v4;
	v5 =	vand.u32 $0x80000000, v5;
	v0 =	vld [tilespmem:s7+$0x80]  }
0x34: {  	v6 =	vor.u32 v7, v6;
	v7 =	vor.u32 v8, v15;
	v8 =	vor.u32 v9, v16;
	v1 =	vld [tilespmem:s7+$0x100]  }
0x35: {  	v9 =	vor.u32 v11, v17;
	v10 =	vor.u32 v10, v3;
	v12 =	vor.u32 v12, v4;
	v2 =	vld [tilespmem:s7+$0x180];
	[tilespmem:s0+$0xC000] =	vst v6  }
0x36: {  	v13 =	vor.u32 v13, v5;
	v3 =	vld [tilespmem:s7+$0x200];
	v17 =	vand.u32 $0x7FFFFFFF, v18;
	[tilespmem:s0+$0xC080] =	vst v7  }
0x37: {  	v6 =	vand.u32 $0x80000000, v14;
	v7 =	vand.u32 $0x7FFFFFFF, v14;
	v4 =	vld [tilespmem:s7+$0x280];
	v11 =	vadd.f32 $8.388608000e+06, v17;
	[tilespmem:s0+$0xC100] =	vst v8  }
0x38: {  	v14 =	vadd.f32 $8.388608000e+06, v7;
	vm0 =	vlt.f32 v7, $8.388608000e+06;
	v8 =	vand.u32 $0x7FFFFFFF, v0;
	v5 =	vld [tilespmem:s7+$0x300];
	[tilespmem:s0+$0xC180] =	vst v9  }
.Ltmp0:
0x39: {  	v15 =	vadd.f32 $8.388608000e+06, v8;
	v9 =	vand.u32 $0x7FFFFFFF, v1;
	v19 =	vadd.f32 $-8.388608000e+06, v11;
	[tilespmem:s0+$0xC200] =	vst v10;
	(pc) =	sbr.rel @p1 .LBB2_3-.Ltmp0, $4  }
0x3a: {  	vm1 =	vlt.f32 v17, $8.388608000e+06;
	v16 =	vadd.f32 $8.388608000e+06, v9;
	v11 =	vand.u32 $0x7FFFFFFF, v2;
	[tilespmem:s0+$0xC280] =	vst v12  }
0x3b: {  	v20 =	vand.u32 $0x80000000, v18;
	v10 =	vand.u32 $0x7FFFFFFF, v3;
	v17 =	vsel vm1, v19, v17;
	[tilespmem:s0+$0xC300] =	vst v13;
	s0 =	smov.u32 s7  }
0x3c: {  	v18 =	vadd.f32 $8.388608000e+06, v11;
	v12 =	vand.u32 $0x7FFFFFFF, v4;
	v20 =	vor.u32 v17, v20  }
0x3d: {  	v19 =	vadd.f32 $8.388608000e+06, v10;
	v17 =	vadd.f32 $8.388608000e+06, v12;
	v13 =	vand.u32 $0x7FFFFFFF, v5;
	[tilespmem:s0+$0xC380] =	vst v20  }
0x3e: {  	v14 =	vadd.f32 $-8.388608000e+06, v14;
	vm1 =	vlt.f32 v8, $8.388608000e+06;
	v20 =	vadd.f32 $8.388608000e+06, v13  }
0x3f: {  	v15 =	vadd.f32 $-8.388608000e+06, v15;
	v16 =	vadd.f32 $-8.388608000e+06, v16;
	vm2 =	vlt.f32 v9, $8.388608000e+06  }
0x40: {  	v18 =	vadd.f32 $-8.388608000e+06, v18;
	vm3 =	vlt.f32 v11, $8.388608000e+06;
	vm4 =	vlt.f32 v10, $8.388608000e+06  }
0x41: {  	vm15 =	vlt.f32 v12, $8.388608000e+06;
	vm5 =	vlt.f32 v13, $8.388608000e+06;
	v0 =	vand.u32 $0x80000000, v0  }
0x42: {  	v1 =	vand.u32 $0x80000000, v1;
	v2 =	vand.u32 $0x80000000, v2;
	v7 =	vsel vm0, v14, v7  }
0x43: {  	v3 =	vand.u32 $0x80000000, v3;
	v8 =	vsel vm1, v15, v8;
	v6 =	vor.u32 v7, v6  }
0x44: {  	v19 =	vadd.f32 $-8.388608000e+06, v19;
	v57 =	vsel vm2, v16, v9;
	v0 =	vor.u32 v8, v0;
	[tilespmem:s0+$0xC000] =	vst v6  }
0x45: {  	v17 =	vadd.f32 $-8.388608000e+06, v17;
	v58 =	vsel vm3, v18, v11;
	v1 =	vor.u32 v57, v1;
	[tilespmem:s0+$0xC080] =	vst v0  }
0x46: {  	p1 =	sne.s32 s30, $0xF;
	v20 =	vadd.f32 $-8.388608000e+06, v20;
	v59 =	vsel vm4, v19, v10;
	v2 =	vor.u32 v58, v2;
	[tilespmem:s0+$0xC100] =	vst v1  }
.Ltmp1:
0x47: {  	v4 =	vand.u32 $0x80000000, v4;
	s1 =	sshrl.u32 s31, $0x3;
	v60 =	vsel vm15, v17, v12;
	v0 =	vor.u32 v59, v3;
	[tilespmem:s0+$0xC180] =	vst v2;
	(pc) =	sbr.rel @p1 .LBB2_6-.Ltmp1, $4  }
0x48: {  	v62 =	vand.u32 $0x80000000, v5;
	s1 =	smul.u32 $0x300, s1;
	v61 =	vsel vm5, v20, v13;
	v1 =	vor.u32 v60, v4;
	[tilespmem:s0+$0xC200] =	vst v0  }
0x49: {  	v63 =	vor.u32 v61, v62;
	[tilespmem:s0+$0xC280] =	vst v1  }
0x4a: {  	s15 =	sadd.s32 s4, s1;
	[tilespmem:s0+$0xC300] =	vst v63  }
0x4b: {  	[hbm4b:s15+s5] =	stream.linear.scatter [tilespmem:s17], [sflag:$0x5], $0x3000, $0x38;
	[tilespmem:$0x18000] =	vst v63  }
.Ltmp2:
0x4c: {  	(pc) =	sbr.rel .LBB2_7-.Ltmp2, $4  }
0x4d: {  	_ = 	snop  }
0x4e: {  	_ =	swait.ge [sflag:s18], $0x3000  }
0x4f: {  	[sflag:s18] =	ssyncset.done $0x0  }
0x50: {  	[sflag:s18] =	ssyncadd.s32 $0xFFFFD000  }
.LBB2_6:
0x51: {  	s0 =	sadd.s32 s3, s1  }
.Ltmp3:
0x52: {  	s0 =	sadd.s32 $0x1800, s0;
	(pc) =	sbr.rel @p0 .LBB2_8-.Ltmp3, $4  }
0x53: {  	[tilespmem:s5], [sflag:$0x1] =	stream.linear.gather [hbm4b:s0+s5], $0x3000, $0x38;
	[tilespmem:$0x18000] =	vst v63  }
0x54: {  	_ =	swait.ge [sflag:s18], $0x3000  }
0x55: {  	[sflag:s18] =	ssyncset.done $0x0  }
0x56: {  	[sflag:s18] =	ssyncadd.s32 $0xFFFFD000  }
.LBB2_7:
0x57: {  	_ =	swait.ge [sflag:s19], $0x3000  }
0x58: {  	[sflag:s19] =	ssyncset.done $0x0  }
0x59: {  	[sflag:s19] =	ssyncadd.s32 $0xFFFFD000  }
.LBB2_8:
0x5a: {  	s7 =	simm.s32 $0x0;
	s0 =	simm.s32 $0x0  }
0x5b: {  	s8 =	simm.s32 $0x0;
	s0 =	sand.u32 $0x1800, s0;
	s9 =	sand.u32 $0x1C00, s7  }
0x5c: {  	s15 =	sand.u32 $0x70, s8;
	s0 =	sadd.s32 s9, s0  }
0x5d: {  	s15 =	sor.u32 s15, s0  }
0x5e: {  	v12 =	vld [tilespmem:s15+$0x3380]  }
0x5f: {  	v4 =	vld [tilespmem:s15+$0x3000]  }
0x60: {  	v0 =	vld [tilespmem:s15+$0x3080]  }
0x61: {  	v1 =	vld [tilespmem:s15+$0x3100]  }
0x62: {  	v2 =	vld [tilespmem:s15+$0x3180];
	_ =	sdelay $0x2  }
0x63: {  	v3 =	vld [tilespmem:s15+$0x3200];
	v13 =	vand.u32 $0x7FFFFFFF, v12  }
0x64: {  	v5 =	vand.u32 $0x80000000, v4;
	v7 =	vand.u32 $0x7FFFFFFF, v4;
	v4 =	vld [tilespmem:s15+$0x3280];
	v10 =	vadd.f32 $8.388608000e+06, v13  }
0x65: {  	v6 =	vld [tilespmem:s15+$0x3300];
	v8 =	vand.u32 $0x7FFFFFFF, v0;
	v9 =	vand.u32 $0x7FFFFFFF, v1;
	v11 =	vand.u32 $0x7FFFFFFF, v2  }
0x66: {  	v19 =	vand.u32 $0x80000000, v12;
	v14 =	vadd.f32 $8.388608000e+06, v7;
	v17 =	vadd.f32 $-8.388608000e+06, v10  }
0x67: {  	vm0 =	vlt.f32 v7, $8.388608000e+06;
	v15 =	vadd.f32 $8.388608000e+06, v8;
	vm1 =	vlt.f32 v13, $8.388608000e+06  }
0x68: {  	v16 =	vadd.f32 $8.388608000e+06, v9;
	v18 =	vadd.f32 $8.388608000e+06, v11;
	v13 =	vsel vm1, v17, v13  }
0x69: {  	v10 =	vand.u32 $0x7FFFFFFF, v3;
	v12 =	vand.u32 $0x7FFFFFFF, v4;
	v20 =	vor.u32 v13, v19  }
0x6a: {  	s0 =	sadd.s32 $0x1, s30;
	v19 =	vadd.f32 $8.388608000e+06, v10;
	v17 =	vadd.f32 $8.388608000e+06, v12;
	v13 =	vand.u32 $0x7FFFFFFF, v6;
	[tilespmem:s15+$0xF380] =	vst v20  }
.LBB2_9:
0x6b: {  	s8 =	sadd.s32 $0x8, s8;
	v14 =	vadd.f32 $-8.388608000e+06, v14;
	vm1 =	vlt.f32 v8, $8.388608000e+06;
	v20 =	vadd.f32 $8.388608000e+06, v13  }
0x6c: {  	v15 =	vadd.f32 $-8.388608000e+06, v15;
	v16 =	vadd.f32 $-8.388608000e+06, v16;
	vm2 =	vlt.f32 v9, $8.388608000e+06;
	s9 =	sshll.u32 s8, $0x1C;
	p2 =	slt.u32 s8, $0x2F8  }
0x6d: {  	v18 =	vadd.f32 $-8.388608000e+06, v18;
	vm3 =	vlt.f32 v11, $8.388608000e+06;
	s7 =	sadd.s32 $0x40, s7;
	v19 =	vadd.f32 $-8.388608000e+06, v19;
	s9 =	sshra.s32 s9, $0x1F  }
0x6e: {  	vm4 =	vlt.f32 v10, $8.388608000e+06;
	s10 =	sand.u32 $0x1C00, s7;
	v17 =	vadd.f32 $-8.388608000e+06, v17;
	v20 =	vadd.f32 $-8.388608000e+06, v20;
	s9 =	sand.u32 $0x1800, s9  }
0x6f: {  	vm5 =	vlt.f32 v13, $8.388608000e+06;
	s6 =	sand.u32 $0x70, s8;
	v7 =	vsel vm0, v14, v7;
	vm0 =	vlt.f32 v12, $8.388608000e+06;
	s9 =	sadd.s32 s10, s9  }
0x70: {  	v8 =	vsel vm1, v15, v8;
	v9 =	vsel vm2, v16, v9;
	v11 =	vsel vm3, v18, v11;
	s6 =	sor.u32 s6, s9  }
0x71: {  	v10 =	vsel vm4, v19, v10;
	v12 =	vsel vm0, v17, v12;
	v13 =	vsel vm5, v20, v13;
	v18 =	vld [tilespmem:s6+$0x3380]  }
0x72: {  	v15 =	vand.u32 $0x80000000, v0;
	v16 =	vand.u32 $0x80000000, v1;
	v17 =	vand.u32 $0x80000000, v2;
	v14 =	vld [tilespmem:s6+$0x3000]  }
0x73: {  	v3 =	vand.u32 $0x80000000, v3;
	v4 =	vand.u32 $0x80000000, v4;
	v6 =	vand.u32 $0x80000000, v6;
	v0 =	vld [tilespmem:s6+$0x3080]  }
0x74: {  	v5 =	vor.u32 v7, v5;
	v7 =	vor.u32 v8, v15;
	v8 =	vor.u32 v9, v16;
	v1 =	vld [tilespmem:s6+$0x3100]  }
0x75: {  	v9 =	vor.u32 v11, v17;
	v10 =	vor.u32 v10, v3;
	v12 =	vor.u32 v12, v4;
	v2 =	vld [tilespmem:s6+$0x3180];
	[tilespmem:s15+$0xF000] =	vst v5  }
0x76: {  	v13 =	vor.u32 v13, v6;
	v3 =	vld [tilespmem:s6+$0x3200];
	v17 =	vand.u32 $0x7FFFFFFF, v18;
	[tilespmem:s15+$0xF080] =	vst v7  }
0x77: {  	v5 =	vand.u32 $0x80000000, v14;
	v7 =	vand.u32 $0x7FFFFFFF, v14;
	v4 =	vld [tilespmem:s6+$0x3280];
	v11 =	vadd.f32 $8.388608000e+06, v17;
	[tilespmem:s15+$0xF100] =	vst v8  }
0x78: {  	v14 =	vadd.f32 $8.388608000e+06, v7;
	vm0 =	vlt.f32 v7, $8.388608000e+06;
	v8 =	vand.u32 $0x7FFFFFFF, v0;
	v6 =	vld [tilespmem:s6+$0x3300];
	[tilespmem:s15+$0xF180] =	vst v9  }
.Ltmp4:
0x79: {  	v15 =	vadd.f32 $8.388608000e+06, v8;
	v9 =	vand.u32 $0x7FFFFFFF, v1;
	v19 =	vadd.f32 $-8.388608000e+06, v11;
	[tilespmem:s15+$0xF200] =	vst v10;
	(pc) =	sbr.rel @p2 .LBB2_9-.Ltmp4, $4  }
0x7a: {  	vm1 =	vlt.f32 v17, $8.388608000e+06;
	v16 =	vadd.f32 $8.388608000e+06, v9;
	v11 =	vand.u32 $0x7FFFFFFF, v2;
	[tilespmem:s15+$0xF280] =	vst v12  }
0x7b: {  	v20 =	vand.u32 $0x80000000, v18;
	v10 =	vand.u32 $0x7FFFFFFF, v3;
	v17 =	vsel vm1, v19, v17;
	[tilespmem:s15+$0xF300] =	vst v13;
	s15 =	smov.u32 s6  }
0x7c: {  	v18 =	vadd.f32 $8.388608000e+06, v11;
	v12 =	vand.u32 $0x7FFFFFFF, v4;
	v20 =	vor.u32 v17, v20  }
0x7d: {  	v19 =	vadd.f32 $8.388608000e+06, v10;
	v17 =	vadd.f32 $8.388608000e+06, v12;
	v13 =	vand.u32 $0x7FFFFFFF, v6;
	[tilespmem:s15+$0xF380] =	vst v20  }
0x7e: {  	v14 =	vadd.f32 $-8.388608000e+06, v14;
	vm1 =	vlt.f32 v8, $8.388608000e+06;
	v20 =	vadd.f32 $8.388608000e+06, v13  }
0x7f: {  	v15 =	vadd.f32 $-8.388608000e+06, v15;
	v16 =	vadd.f32 $-8.388608000e+06, v16;
	vm2 =	vlt.f32 v9, $8.388608000e+06  }
0x80: {  	v18 =	vadd.f32 $-8.388608000e+06, v18;
	vm3 =	vlt.f32 v11, $8.388608000e+06;
	vm4 =	vlt.f32 v10, $8.388608000e+06  }
0x81: {  	vm15 =	vlt.f32 v12, $8.388608000e+06;
	vm5 =	vlt.f32 v13, $8.388608000e+06;
	v0 =	vand.u32 $0x80000000, v0  }
0x82: {  	v1 =	vand.u32 $0x80000000, v1;
	v2 =	vand.u32 $0x80000000, v2;
	v7 =	vsel vm0, v14, v7  }
0x83: {  	v3 =	vand.u32 $0x80000000, v3;
	v8 =	vsel vm1, v15, v8;
	v5 =	vor.u32 v7, v5  }
0x84: {  	v19 =	vadd.f32 $-8.388608000e+06, v19;
	v57 =	vsel vm2, v16, v9;
	v0 =	vor.u32 v8, v0;
	[tilespmem:s15+$0xF000] =	vst v5  }
0x85: {  	v17 =	vadd.f32 $-8.388608000e+06, v17;
	v58 =	vsel vm3, v18, v11;
	v1 =	vor.u32 v57, v1;
	[tilespmem:s15+$0xF080] =	vst v0  }
0x86: {  	v20 =	vadd.f32 $-8.388608000e+06, v20;
	v59 =	vsel vm4, v19, v10;
	v2 =	vor.u32 v58, v2;
	[tilespmem:s15+$0xF100] =	vst v1  }
.Ltmp5:
0x87: {  	v4 =	vand.u32 $0x80000000, v4;
	v60 =	vsel vm15, v17, v12;
	v0 =	vor.u32 v59, v3;
	[tilespmem:s15+$0xF180] =	vst v2;
	(pc) =	sbr.rel @p1 .LBB2_12-.Ltmp5, $4  }
0x88: {  	v62 =	vand.u32 $0x80000000, v6;
	v61 =	vsel vm5, v20, v13;
	v1 =	vor.u32 v60, v4;
	[tilespmem:s15+$0xF200] =	vst v0  }
0x89: {  	s6 =	sadd.s32 s1, s4;
	v63 =	vor.u32 v61, v62;
	[tilespmem:s15+$0xF280] =	vst v1  }
0x8a: {  	s6 =	sadd.s32 $0x600, s6;
	[tilespmem:s15+$0xF300] =	vst v63  }
0x8b: {  	[hbm4b:s6+s5] =	stream.linear.scatter [tilespmem:s20], [sflag:$0x6], $0x3000, $0x38;
	[tilespmem:$0x18000] =	vst v63  }
.Ltmp6:
0x8c: {  	(pc) =	sbr.rel .LBB2_13-.Ltmp6, $4  }
0x8d: {  	_ = 	snop  }
0x8e: {  	_ =	swait.ge [sflag:s21], $0x3000  }
0x8f: {  	[sflag:s21] =	ssyncset.done $0x0  }
0x90: {  	[sflag:s21] =	ssyncadd.s32 $0xFFFFD000  }
.LBB2_12:
0x91: {  	s6 =	sadd.s32 s3, s1  }
.Ltmp7:
0x92: {  	s6 =	sadd.s32 $0x1E00, s6;
	(pc) =	sbr.rel @p0 .LBB2_14-.Ltmp7, $4  }
0x93: {  	[tilespmem:s13], [sflag:$0x2] =	stream.linear.gather [hbm4b:s6+s5], $0x3000, $0x38;
	[tilespmem:$0x18000] =	vst v63  }
0x94: {  	_ =	swait.ge [sflag:s21], $0x3000  }
0x95: {  	[sflag:s21] =	ssyncset.done $0x0  }
0x96: {  	[sflag:s21] =	ssyncadd.s32 $0xFFFFD000  }
.LBB2_13:
0x97: {  	_ =	swait.ge [sflag:s22], $0x3000  }
0x98: {  	[sflag:s22] =	ssyncset.done $0x0  }
0x99: {  	[sflag:s22] =	ssyncadd.s32 $0xFFFFD000  }
.LBB2_14:
0x9a: {  	s7 =	simm.s32 $0x0;
	s6 =	simm.s32 $0x0  }
0x9b: {  	s8 =	simm.s32 $0x0;
	s6 =	sand.u32 $0x1800, s6;
	s9 =	sand.u32 $0x1C00, s7  }
0x9c: {  	s10 =	sand.u32 $0x70, s8;
	s6 =	sadd.s32 s9, s6  }
0x9d: {  	s15 =	sor.u32 s10, s6  }
0x9e: {  	v12 =	vld [tilespmem:s15+$0x6380]  }
0x9f: {  	v4 =	vld [tilespmem:s15+$0x6000]  }
0xa0: {  	v0 =	vld [tilespmem:s15+$0x6080]  }
0xa1: {  	v1 =	vld [tilespmem:s15+$0x6100]  }
0xa2: {  	v2 =	vld [tilespmem:s15+$0x6180];
	_ =	sdelay $0x2  }
0xa3: {  	v3 =	vld [tilespmem:s15+$0x6200];
	v13 =	vand.u32 $0x7FFFFFFF, v12  }
0xa4: {  	v5 =	vand.u32 $0x80000000, v4;
	v7 =	vand.u32 $0x7FFFFFFF, v4;
	v4 =	vld [tilespmem:s15+$0x6280];
	v10 =	vadd.f32 $8.388608000e+06, v13  }
0xa5: {  	v6 =	vld [tilespmem:s15+$0x6300];
	v8 =	vand.u32 $0x7FFFFFFF, v0;
	v9 =	vand.u32 $0x7FFFFFFF, v1;
	v11 =	vand.u32 $0x7FFFFFFF, v2  }
0xa6: {  	v19 =	vand.u32 $0x80000000, v12;
	v14 =	vadd.f32 $8.388608000e+06, v7;
	v17 =	vadd.f32 $-8.388608000e+06, v10  }
0xa7: {  	vm0 =	vlt.f32 v7, $8.388608000e+06;
	v15 =	vadd.f32 $8.388608000e+06, v8;
	vm1 =	vlt.f32 v13, $8.388608000e+06  }
0xa8: {  	v16 =	vadd.f32 $8.388608000e+06, v9;
	v18 =	vadd.f32 $8.388608000e+06, v11;
	v13 =	vsel vm1, v17, v13  }
0xa9: {  	v10 =	vand.u32 $0x7FFFFFFF, v3;
	v12 =	vand.u32 $0x7FFFFFFF, v4;
	v20 =	vor.u32 v13, v19  }
0xaa: {  	v19 =	vadd.f32 $8.388608000e+06, v10;
	v17 =	vadd.f32 $8.388608000e+06, v12;
	v13 =	vand.u32 $0x7FFFFFFF, v6;
	[tilespmem:s15+$0x12380] =	vst v20  }
.LBB2_15:
0xab: {  	s8 =	sadd.s32 $0x8, s8;
	v14 =	vadd.f32 $-8.388608000e+06, v14;
	vm1 =	vlt.f32 v8, $8.388608000e+06;
	v20 =	vadd.f32 $8.388608000e+06, v13  }
0xac: {  	v15 =	vadd.f32 $-8.388608000e+06, v15;
	v16 =	vadd.f32 $-8.388608000e+06, v16;
	vm2 =	vlt.f32 v9, $8.388608000e+06;
	s6 =	sshll.u32 s8, $0x1C;
	p2 =	slt.u32 s8, $0x2F8  }
0xad: {  	v18 =	vadd.f32 $-8.388608000e+06, v18;
	vm3 =	vlt.f32 v11, $8.388608000e+06;
	s7 =	sadd.s32 $0x40, s7;
	v19 =	vadd.f32 $-8.388608000e+06, v19;
	s6 =	sshra.s32 s6, $0x1F  }
0xae: {  	vm4 =	vlt.f32 v10, $8.388608000e+06;
	s9 =	sand.u32 $0x1C00, s7;
	v17 =	vadd.f32 $-8.388608000e+06, v17;
	v20 =	vadd.f32 $-8.388608000e+06, v20;
	s6 =	sand.u32 $0x1800, s6  }
0xaf: {  	vm5 =	vlt.f32 v13, $8.388608000e+06;
	s10 =	sand.u32 $0x70, s8;
	v7 =	vsel vm0, v14, v7;
	vm0 =	vlt.f32 v12, $8.388608000e+06;
	s6 =	sadd.s32 s9, s6  }
0xb0: {  	v8 =	vsel vm1, v15, v8;
	v9 =	vsel vm2, v16, v9;
	v11 =	vsel vm3, v18, v11;
	s6 =	sor.u32 s10, s6  }
0xb1: {  	v10 =	vsel vm4, v19, v10;
	v12 =	vsel vm0, v17, v12;
	v13 =	vsel vm5, v20, v13;
	v18 =	vld [tilespmem:s6+$0x6380]  }
0xb2: {  	v15 =	vand.u32 $0x80000000, v0;
	v16 =	vand.u32 $0x80000000, v1;
	v17 =	vand.u32 $0x80000000, v2;
	v14 =	vld [tilespmem:s6+$0x6000]  }
0xb3: {  	v3 =	vand.u32 $0x80000000, v3;
	v4 =	vand.u32 $0x80000000, v4;
	v6 =	vand.u32 $0x80000000, v6;
	v0 =	vld [tilespmem:s6+$0x6080]  }
0xb4: {  	v5 =	vor.u32 v7, v5;
	v7 =	vor.u32 v8, v15;
	v8 =	vor.u32 v9, v16;
	v1 =	vld [tilespmem:s6+$0x6100]  }
0xb5: {  	v9 =	vor.u32 v11, v17;
	v10 =	vor.u32 v10, v3;
	v12 =	vor.u32 v12, v4;
	v2 =	vld [tilespmem:s6+$0x6180];
	[tilespmem:s15+$0x12000] =	vst v5  }
0xb6: {  	v13 =	vor.u32 v13, v6;
	v3 =	vld [tilespmem:s6+$0x6200];
	v17 =	vand.u32 $0x7FFFFFFF, v18;
	[tilespmem:s15+$0x12080] =	vst v7  }
0xb7: {  	v5 =	vand.u32 $0x80000000, v14;
	v7 =	vand.u32 $0x7FFFFFFF, v14;
	v4 =	vld [tilespmem:s6+$0x6280];
	v11 =	vadd.f32 $8.388608000e+06, v17;
	[tilespmem:s15+$0x12100] =	vst v8  }
0xb8: {  	v14 =	vadd.f32 $8.388608000e+06, v7;
	vm0 =	vlt.f32 v7, $8.388608000e+06;
	v8 =	vand.u32 $0x7FFFFFFF, v0;
	v6 =	vld [tilespmem:s6+$0x6300];
	[tilespmem:s15+$0x12180] =	vst v9  }
.Ltmp8:
0xb9: {  	v15 =	vadd.f32 $8.388608000e+06, v8;
	v9 =	vand.u32 $0x7FFFFFFF, v1;
	v19 =	vadd.f32 $-8.388608000e+06, v11;
	[tilespmem:s15+$0x12200] =	vst v10;
	(pc) =	sbr.rel @p2 .LBB2_15-.Ltmp8, $4  }
0xba: {  	vm1 =	vlt.f32 v17, $8.388608000e+06;
	v16 =	vadd.f32 $8.388608000e+06, v9;
	v11 =	vand.u32 $0x7FFFFFFF, v2;
	[tilespmem:s15+$0x12280] =	vst v12  }
0xbb: {  	v20 =	vand.u32 $0x80000000, v18;
	v10 =	vand.u32 $0x7FFFFFFF, v3;
	v17 =	vsel vm1, v19, v17;
	[tilespmem:s15+$0x12300] =	vst v13;
	s15 =	smov.u32 s6  }
0xbc: {  	v18 =	vadd.f32 $8.388608000e+06, v11;
	v12 =	vand.u32 $0x7FFFFFFF, v4;
	v20 =	vor.u32 v17, v20  }
0xbd: {  	v19 =	vadd.f32 $8.388608000e+06, v10;
	v17 =	vadd.f32 $8.388608000e+06, v12;
	v13 =	vand.u32 $0x7FFFFFFF, v6;
	[tilespmem:s15+$0x12380] =	vst v20  }
0xbe: {  	v14 =	vadd.f32 $-8.388608000e+06, v14;
	vm1 =	vlt.f32 v8, $8.388608000e+06;
	v20 =	vadd.f32 $8.388608000e+06, v13  }
0xbf: {  	v15 =	vadd.f32 $-8.388608000e+06, v15;
	v16 =	vadd.f32 $-8.388608000e+06, v16;
	vm2 =	vlt.f32 v9, $8.388608000e+06  }
0xc0: {  	v18 =	vadd.f32 $-8.388608000e+06, v18;
	vm3 =	vlt.f32 v11, $8.388608000e+06;
	vm4 =	vlt.f32 v10, $8.388608000e+06  }
0xc1: {  	vm15 =	vlt.f32 v12, $8.388608000e+06;
	vm5 =	vlt.f32 v13, $8.388608000e+06;
	v0 =	vand.u32 $0x80000000, v0  }
0xc2: {  	v1 =	vand.u32 $0x80000000, v1;
	v2 =	vand.u32 $0x80000000, v2;
	v7 =	vsel vm0, v14, v7  }
0xc3: {  	v3 =	vand.u32 $0x80000000, v3;
	v8 =	vsel vm1, v15, v8;
	v5 =	vor.u32 v7, v5  }
0xc4: {  	v19 =	vadd.f32 $-8.388608000e+06, v19;
	v57 =	vsel vm2, v16, v9;
	v0 =	vor.u32 v8, v0;
	[tilespmem:s15+$0x12000] =	vst v5  }
0xc5: {  	v17 =	vadd.f32 $-8.388608000e+06, v17;
	v58 =	vsel vm3, v18, v11;
	v1 =	vor.u32 v57, v1;
	[tilespmem:s15+$0x12080] =	vst v0  }
0xc6: {  	v20 =	vadd.f32 $-8.388608000e+06, v20;
	v59 =	vsel vm4, v19, v10;
	v2 =	vor.u32 v58, v2;
	[tilespmem:s15+$0x12100] =	vst v1  }
.Ltmp9:
0xc7: {  	v4 =	vand.u32 $0x80000000, v4;
	v60 =	vsel vm15, v17, v12;
	v0 =	vor.u32 v59, v3;
	[tilespmem:s15+$0x12180] =	vst v2;
	(pc) =	sbr.rel @p1 .LBB2_18-.Ltmp9, $4  }
0xc8: {  	v62 =	vand.u32 $0x80000000, v6;
	v61 =	vsel vm5, v20, v13;
	v1 =	vor.u32 v60, v4;
	[tilespmem:s15+$0x12200] =	vst v0  }
0xc9: {  	v63 =	vor.u32 v61, v62;
	[tilespmem:s15+$0x12280] =	vst v1  }
0xca: {  	s6 =	sadd.s32 s11, s1;
	[tilespmem:s15+$0x12300] =	vst v63  }
0xcb: {  	[hbm4b:s6+s5] =	stream.linear.scatter [tilespmem:s23], [sflag:$0x7], $0x3000, $0x38;
	[tilespmem:$0x18000] =	vst v63  }
.Ltmp10:
0xcc: {  	(pc) =	sbr.rel .LBB2_19-.Ltmp10, $4  }
0xcd: {  	_ = 	snop  }
0xce: {  	_ =	swait.ge [sflag:s24], $0x3000  }
0xcf: {  	[sflag:s24] =	ssyncset.done $0x0  }
0xd0: {  	[sflag:s24] =	ssyncadd.s32 $0xFFFFD000  }
.LBB2_18:
0xd1: {  	s6 =	sadd.s32 s3, s1  }
.Ltmp11:
0xd2: {  	s6 =	sadd.s32 $0x2400, s6;
	(pc) =	sbr.rel @p0 .LBB2_20-.Ltmp11, $4  }
0xd3: {  	[tilespmem:s14], [sflag:$0x3] =	stream.linear.gather [hbm4b:s6+s5], $0x3000, $0x38;
	[tilespmem:$0x18000] =	vst v63  }
0xd4: {  	_ =	swait.ge [sflag:s24], $0x3000  }
0xd5: {  	[sflag:s24] =	ssyncset.done $0x0  }
0xd6: {  	[sflag:s24] =	ssyncadd.s32 $0xFFFFD000  }
.LBB2_19:
0xd7: {  	_ =	swait.ge [sflag:s25], $0x3000  }
0xd8: {  	[sflag:s25] =	ssyncset.done $0x0  }
0xd9: {  	[sflag:s25] =	ssyncadd.s32 $0xFFFFD000  }
.LBB2_20:
0xda: {  	s7 =	simm.s32 $0x0;
	s6 =	simm.s32 $0x0  }
0xdb: {  	s8 =	simm.s32 $0x0;
	s6 =	sand.u32 $0x1800, s6;
	s9 =	sand.u32 $0x1C00, s7  }
0xdc: {  	s10 =	sand.u32 $0x70, s8;
	s6 =	sadd.s32 s9, s6  }
0xdd: {  	s15 =	sor.u32 s10, s6  }
0xde: {  	v12 =	vld [tilespmem:s15+$0x9380]  }
0xdf: {  	v4 =	vld [tilespmem:s15+$0x9000]  }
0xe0: {  	v0 =	vld [tilespmem:s15+$0x9080]  }
0xe1: {  	v1 =	vld [tilespmem:s15+$0x9100]  }
0xe2: {  	v2 =	vld [tilespmem:s15+$0x9180];
	_ =	sdelay $0x2  }
0xe3: {  	v3 =	vld [tilespmem:s15+$0x9200];
	v13 =	vand.u32 $0x7FFFFFFF, v12  }
0xe4: {  	v5 =	vand.u32 $0x80000000, v4;
	v7 =	vand.u32 $0x7FFFFFFF, v4;
	v4 =	vld [tilespmem:s15+$0x9280];
	v10 =	vadd.f32 $8.388608000e+06, v13  }
0xe5: {  	v6 =	vld [tilespmem:s15+$0x9300];
	v8 =	vand.u32 $0x7FFFFFFF, v0;
	v9 =	vand.u32 $0x7FFFFFFF, v1;
	v11 =	vand.u32 $0x7FFFFFFF, v2  }
0xe6: {  	v19 =	vand.u32 $0x80000000, v12;
	v14 =	vadd.f32 $8.388608000e+06, v7;
	v17 =	vadd.f32 $-8.388608000e+06, v10  }
0xe7: {  	vm0 =	vlt.f32 v7, $8.388608000e+06;
	v15 =	vadd.f32 $8.388608000e+06, v8;
	vm1 =	vlt.f32 v13, $8.388608000e+06  }
0xe8: {  	v16 =	vadd.f32 $8.388608000e+06, v9;
	v18 =	vadd.f32 $8.388608000e+06, v11;
	v13 =	vsel vm1, v17, v13  }
0xe9: {  	v10 =	vand.u32 $0x7FFFFFFF, v3;
	v12 =	vand.u32 $0x7FFFFFFF, v4;
	v20 =	vor.u32 v13, v19  }
0xea: {  	v19 =	vadd.f32 $8.388608000e+06, v10;
	v17 =	vadd.f32 $8.388608000e+06, v12;
	v13 =	vand.u32 $0x7FFFFFFF, v6;
	[tilespmem:s15+$0x15380] =	vst v20  }
.LBB2_21:
0xeb: {  	s8 =	sadd.s32 $0x8, s8;
	v14 =	vadd.f32 $-8.388608000e+06, v14;
	vm1 =	vlt.f32 v8, $8.388608000e+06;
	v20 =	vadd.f32 $8.388608000e+06, v13  }
0xec: {  	v15 =	vadd.f32 $-8.388608000e+06, v15;
	v16 =	vadd.f32 $-8.388608000e+06, v16;
	vm2 =	vlt.f32 v9, $8.388608000e+06;
	s6 =	sshll.u32 s8, $0x1C;
	p0 =	slt.u32 s8, $0x2F8  }
0xed: {  	v18 =	vadd.f32 $-8.388608000e+06, v18;
	vm3 =	vlt.f32 v11, $8.388608000e+06;
	s7 =	sadd.s32 $0x40, s7;
	v19 =	vadd.f32 $-8.388608000e+06, v19;
	s6 =	sshra.s32 s6, $0x1F  }
0xee: {  	vm4 =	vlt.f32 v10, $8.388608000e+06;
	s9 =	sand.u32 $0x1C00, s7;
	v17 =	vadd.f32 $-8.388608000e+06, v17;
	v20 =	vadd.f32 $-8.388608000e+06, v20;
	s6 =	sand.u32 $0x1800, s6  }
0xef: {  	vm5 =	vlt.f32 v13, $8.388608000e+06;
	s10 =	sand.u32 $0x70, s8;
	v7 =	vsel vm0, v14, v7;
	vm0 =	vlt.f32 v12, $8.388608000e+06;
	s6 =	sadd.s32 s9, s6  }
0xf0: {  	v8 =	vsel vm1, v15, v8;
	v9 =	vsel vm2, v16, v9;
	v11 =	vsel vm3, v18, v11;
	s6 =	sor.u32 s10, s6  }
0xf1: {  	v10 =	vsel vm4, v19, v10;
	v12 =	vsel vm0, v17, v12;
	v13 =	vsel vm5, v20, v13;
	v18 =	vld [tilespmem:s6+$0x9380]  }
0xf2: {  	v15 =	vand.u32 $0x80000000, v0;
	v16 =	vand.u32 $0x80000000, v1;
	v17 =	vand.u32 $0x80000000, v2;
	v14 =	vld [tilespmem:s6+$0x9000]  }
0xf3: {  	v3 =	vand.u32 $0x80000000, v3;
	v4 =	vand.u32 $0x80000000, v4;
	v6 =	vand.u32 $0x80000000, v6;
	v0 =	vld [tilespmem:s6+$0x9080]  }
0xf4: {  	v5 =	vor.u32 v7, v5;
	v7 =	vor.u32 v8, v15;
	v8 =	vor.u32 v9, v16;
	v1 =	vld [tilespmem:s6+$0x9100]  }
0xf5: {  	v9 =	vor.u32 v11, v17;
	v10 =	vor.u32 v10, v3;
	v12 =	vor.u32 v12, v4;
	v2 =	vld [tilespmem:s6+$0x9180];
	[tilespmem:s15+$0x15000] =	vst v5  }
0xf6: {  	v13 =	vor.u32 v13, v6;
	v3 =	vld [tilespmem:s6+$0x9200];
	v17 =	vand.u32 $0x7FFFFFFF, v18;
	[tilespmem:s15+$0x15080] =	vst v7  }
0xf7: {  	v5 =	vand.u32 $0x80000000, v14;
	v7 =	vand.u32 $0x7FFFFFFF, v14;
	v4 =	vld [tilespmem:s6+$0x9280];
	v11 =	vadd.f32 $8.388608000e+06, v17;
	[tilespmem:s15+$0x15100] =	vst v8  }
0xf8: {  	v14 =	vadd.f32 $8.388608000e+06, v7;
	vm0 =	vlt.f32 v7, $8.388608000e+06;
	v8 =	vand.u32 $0x7FFFFFFF, v0;
	v6 =	vld [tilespmem:s6+$0x9300];
	[tilespmem:s15+$0x15180] =	vst v9  }
.Ltmp12:
0xf9: {  	v15 =	vadd.f32 $8.388608000e+06, v8;
	v9 =	vand.u32 $0x7FFFFFFF, v1;
	v19 =	vadd.f32 $-8.388608000e+06, v11;
	[tilespmem:s15+$0x15200] =	vst v10;
	(pc) =	sbr.rel @p0 .LBB2_21-.Ltmp12, $4  }
0xfa: {  	vm1 =	vlt.f32 v17, $8.388608000e+06;
	v16 =	vadd.f32 $8.388608000e+06, v9;
	v11 =	vand.u32 $0x7FFFFFFF, v2;
	[tilespmem:s15+$0x15280] =	vst v12  }
0xfb: {  	v20 =	vand.u32 $0x80000000, v18;
	v10 =	vand.u32 $0x7FFFFFFF, v3;
	v17 =	vsel vm1, v19, v17;
	[tilespmem:s15+$0x15300] =	vst v13;
	s15 =	smov.u32 s6  }
0xfc: {  	v18 =	vadd.f32 $8.388608000e+06, v11;
	v12 =	vand.u32 $0x7FFFFFFF, v4;
	v20 =	vor.u32 v17, v20  }
0xfd: {  	v19 =	vadd.f32 $8.388608000e+06, v10;
	v17 =	vadd.f32 $8.388608000e+06, v12;
	v13 =	vand.u32 $0x7FFFFFFF, v6;
	[tilespmem:s15+$0x15380] =	vst v20  }
0xfe: {  	v14 =	vadd.f32 $-8.388608000e+06, v14;
	vm1 =	vlt.f32 v8, $8.388608000e+06;
	v20 =	vadd.f32 $8.388608000e+06, v13  }
0xff: {  	v15 =	vadd.f32 $-8.388608000e+06, v15;
	v16 =	vadd.f32 $-8.388608000e+06, v16;
	vm2 =	vlt.f32 v9, $8.388608000e+06  }
0x100: {  	v18 =	vadd.f32 $-8.388608000e+06, v18;
	vm3 =	vlt.f32 v11, $8.388608000e+06;
	vm4 =	vlt.f32 v10, $8.388608000e+06  }
0x101: {  	vm15 =	vlt.f32 v12, $8.388608000e+06;
	vm5 =	vlt.f32 v13, $8.388608000e+06;
	v0 =	vand.u32 $0x80000000, v0  }
0x102: {  	v1 =	vand.u32 $0x80000000, v1;
	v2 =	vand.u32 $0x80000000, v2;
	v7 =	vsel vm0, v14, v7  }
0x103: {  	v3 =	vand.u32 $0x80000000, v3;
	v8 =	vsel vm1, v15, v8;
	v5 =	vor.u32 v7, v5  }
0x104: {  	v19 =	vadd.f32 $-8.388608000e+06, v19;
	v57 =	vsel vm2, v16, v9;
	v0 =	vor.u32 v8, v0;
	[tilespmem:s15+$0x15000] =	vst v5  }
0x105: {  	v17 =	vadd.f32 $-8.388608000e+06, v17;
	v58 =	vsel vm3, v18, v11;
	v1 =	vor.u32 v57, v1;
	[tilespmem:s15+$0x15080] =	vst v0  }
0x106: {  	v20 =	vadd.f32 $-8.388608000e+06, v20;
	v59 =	vsel vm4, v19, v10;
	v2 =	vor.u32 v58, v2;
	[tilespmem:s15+$0x15100] =	vst v1  }
0x107: {  	v4 =	vand.u32 $0x80000000, v4;
	v60 =	vsel vm15, v17, v12;
	v0 =	vor.u32 v59, v3;
	[tilespmem:s15+$0x15180] =	vst v2  }
0x108: {  	v62 =	vand.u32 $0x80000000, v6;
	p0 =	seq.s32 s30, $0xF;
	v61 =	vsel vm5, v20, v13;
	v1 =	vor.u32 v60, v4;
	[tilespmem:s15+$0x15200] =	vst v0  }
0x109: {  	s6 =	sshrl.u32 @!p0 s31, $0x3;
	v63 =	vor.u32 v61, v62;
	[tilespmem:s15+$0x15280] =	vst v1  }
0x10a: {  	s1 =	sadd.s32 s12, s1;
	s6 =	smul.u32 @!p0 $0x300, s6;
	[tilespmem:s15+$0x15300] =	vst v63  }
0x10b: {  	[hbm4b:s1+s5] =	stream.linear.scatter [tilespmem:s26], [sflag:$0x8], $0x3000, $0x38;
	[tilespmem:$0x18000] =	vst v63  }
0x10c: {  	s7 =	simm.s32 @!p0 $0x9000;
	s1 =	sadd.s32 @!p0 s3, s6  }
0x10d: {  	p1 =	sne.s32 @!p0 s0, $0x10;
	s6 =	simm.s32 @!p0 $0x0;
	s1 =	sadd.s32 @!p0 $0x2A00, s1  }
0x10e: {  	[tilespmem:s7], [sflag:$0x4] =	stream.linear.gather @!p0 [hbm4b:s1+s6], $0x3000, $0x38;
	[tilespmem:$0x18000] =	vst v63  }
0x10f: {  	p0 =	por p0, !p1  }
.Ltmp13:
0x110: {  	_ = 	snop;
	(pc) =	sbr.rel @!p0 .LBB2_2-.Ltmp13, $2  }
0x111: {  	_ =	sdelay $0x2  }
0x112: {  	s30 =	smov.u32 s0  }
0x113: {  	_ =	swait.ge [sflag:s28], $0x3000  }
0x114: {  	[sflag:s28] =	ssyncset.done $0x0  }
0x115: {  	[sflag:s28] =	ssyncadd.s32 $0xFFFFD000  }
0x116: {  	_ =	swait.ge [sflag:s19], $0x3000  }
0x117: {  	[sflag:s19] =	ssyncset.done $0x0  }
0x118: {  	[sflag:s19] =	ssyncadd.s32 $0xFFFFD000  }
0x119: {  	_ =	swait.ge [sflag:s22], $0x3000  }
0x11a: {  	[sflag:s22] =	ssyncset.done $0x0  }
0x11b: {  	[sflag:s22] =	ssyncadd.s32 $0xFFFFD000  }
0x11c: {  	_ =	swait.ge [sflag:s25], $0x3000  }
0x11d: {  	s29 =	sadd.s32 $0x1, s29;
	s0 =	rddreg [dreg:$0x7]  }
0x11e: {  	p0 =	sne.s32 s29, s0  }
.Ltmp14:
0x11f: {  	_ = 	snop;
	(pc) =	sbr.rel @p0 .LBB2_1-.Ltmp14, $3  }
0x120: {  	_ =	sdelay $0x1  }
0x121: {  	[sflag:s25] =	ssyncset.done $0x0  }
0x122: {  	[sflag:s25] =	ssyncadd.s32 $0xFFFFD000  }
0x123: {  	_ =	sfence.sel $0x180000  }
0x124: {  	[bflag:$0x0] =	sbarrier.arrive $0xFFFF  }
0x125: {  	_ =	strace $0x90000047  }
0x126: {  	s0 =	stileid.u32;
	[bflag:$0x2] =	sbarrier.arrive $0xFFFF  }
0x127: {  	p0 =	sne.s32 s0, $0x0;
	s0 =	rddreg [dreg:$0x2]  }
0x128: {  	s0 =	sadd.s32 @!p0 $0x100000, s0  }
0x129: {  	[sflag:s0] =	ssyncadd.tile.s32 @!p0 $0x1;
	_ =	shalt  }
.Lfunc_end2:
_tile_overlayer_lowered:
.L_overlay_start_2:
0x12a: {  	(tag) =	ssettag $0x2  }
0x12b: {  	s0 =	rddreg [dreg:$0x0];
	s2 =	stileid.u32  }
0x12c: {  	s1 =	rddreg [dreg:$0x1];
	p0 =	sne.s32 s2, $0x0  }
0x12d: {  	s3 =	rddreg [dreg:$0x2];
	[bflag:$0x3] =	sbarrier.arrive $0xFFFF;
	s2 =	simm.s32 @!p0 $0x1C09  }
0x12e: {  	[timem:s3], [sflag:s2] =	dma.local @!p0 [hbm:s0], s1  }
0x12f: {  	s0 =	simm.s32 @!p0 $0x9  }
0x130: {  	_ =	swait.ge @!p0 [sflag:s0], s1  }
0x131: {  	s1 =	ssub.s32 @!p0 $0x0, s1;
	[sflag:s0] =	ssyncset.done @!p0 $0x0  }
0x132: {  	[sflag:s0] =	ssyncadd.s32 @!p0 s1  }
0x133: {  	[bflag:$0x3] =	sbarrier.arrive $0xFFFF  }
0x134: {  	_ =	shalt  }

</sc_bundles>
